<compile_context>
chip_gen: v7x
topology: tpu7x:2x2x1
jax: 0.10.2.dev20260603
libtpu: 0.0.44.dev20260713+nightly
codegen_flags: <defaults>
</compile_context>

<pallas_src>
import functools

import jax
import jax.numpy as jnp
from jax import lax
from jax.experimental import pallas as pl
from jax.experimental.pallas import tpu as pltpu
from jax.experimental.pallas import tpu_sc as plsc

N = 10000
E = 320000
F_IN = 128
H = 128
C = 40
D3 = 48

NP = 10240
NC = 2
NS = 16
NW = NC * NS
EPT = E // NW
CH = 80
NCHUNK = EPT // CH
RPS = NP // NS
CL = 16


def _sc_mesh():
    return plsc.VectorSubcoreMesh(
        core_axis_name="c", subcore_axis_name="s", num_cores=NC, num_subcores=NS
    )


def _make_agg(d, with_cnt):
    out_type = [jax.ShapeDtypeStruct((NC, NP, d), jnp.float32)]
    scratch = [
        pltpu.VMEM_SHARED((NP, d), jnp.float32),
        pltpu.VMEM((CH,), jnp.int32),
        pltpu.VMEM((CH,), jnp.int32),
        pltpu.VMEM((CH, d), jnp.float32),
        pltpu.SemaphoreType.DMA,
    ]
    if with_cnt:
        out_type.append(jax.ShapeDtypeStruct((NC, NP, CL), jnp.float32))
        scratch += [
            pltpu.VMEM_SHARED((NP, CL), jnp.float32),
            pltpu.VMEM((CH, CL), jnp.float32),
        ]

    def body(h_hbm, row_hbm, col_hbm, z_hbm, *rest):
        if with_cnt:
            (z16_hbm, out_hbm, cnt_hbm, acc, ridx, cidx, rows, sem,
             cacc, ones) = rest
        else:
            out_hbm, acc, ridx, cidx, rows, sem = rest
        c = lax.axis_index("c")
        s = lax.axis_index("s")
        rs = pl.ds(s * RPS, RPS)
        pltpu.sync_copy(z_hbm.at[rs], acc.at[rs])
        if with_cnt:
            pltpu.sync_copy(z16_hbm.at[rs], cacc.at[rs])

            def fill_ones(i, carry):
                ones[i, pl.ds(0, CL)] = jnp.ones((CL,), jnp.float32)
                return carry

            lax.fori_loop(0, CH, fill_ones, 0)
        plsc.subcore_barrier()

        base = (c * NS + s) * EPT

        def step(i, carry):
            off = base + i * CH
            pltpu.sync_copy(row_hbm.at[pl.ds(off, CH)], ridx)
            pltpu.sync_copy(col_hbm.at[pl.ds(off, CH)], cidx)
            pltpu.async_copy(h_hbm.at[ridx], rows, sem).wait()
            pltpu.sync_copy(rows, acc.at[cidx], add=True)
            if with_cnt:
                pltpu.sync_copy(ones, cacc.at[cidx], add=True)
            return carry

        lax.fori_loop(0, NCHUNK, step, 0)
        plsc.subcore_barrier()
        pltpu.sync_copy(acc.at[rs], out_hbm.at[c, rs])
        if with_cnt:
            pltpu.sync_copy(cacc.at[rs], cnt_hbm.at[c, rs])

    return pl.kernel(
        body, out_type=out_type, mesh=_sc_mesh(), scratch_types=scratch,
        compiler_params=pltpu.CompilerParams(use_tc_tiling_on_sc=False),
    )


_agg1 = _make_agg(H, True)
_agg2 = _make_agg(H, False)
_agg3 = _make_agg(D3, False)


def _linear_body(x_ref, w_ref, b_ref, o_ref):
    o_ref[...] = (
        lax.dot_general(
            x_ref[...], w_ref[...], (((1,), (1,)), ((), ())),
            preferred_element_type=jnp.float32,
        )
        + b_ref[...]
    )


def _linear(x, w, b):
    return pl.pallas_call(
        _linear_body,
        out_shape=jax.ShapeDtypeStruct((x.shape[0], w.shape[0]), jnp.float32),
    )(x, w, b)


def _combine(s_ref, c_ref, h_ref):
    sv = s_ref[...]
    cv = c_ref[...]
    ssum = sv[0, :N] + sv[1, :N]
    cnt = jnp.max(cv[0, :N] + cv[1, :N], axis=1, keepdims=True)
    mean = ssum / jnp.maximum(cnt, 1.0)
    return jnp.where(cnt > 0.0, mean, h_ref[...])


def _combine_linear_body(s_ref, c_ref, h_ref, w_ref, b_ref, o_ref):
    g = jnp.maximum(_combine(s_ref, c_ref, h_ref), 0.0)
    o_ref[...] = (
        lax.dot_general(
            g, w_ref[...], (((1,), (1,)), ((), ())),
            preferred_element_type=jnp.float32,
        )
        + b_ref[...]
    )


def _combine_linear(s, cnt, h, w, b):
    return pl.pallas_call(
        _combine_linear_body,
        out_shape=jax.ShapeDtypeStruct((h.shape[0], w.shape[0]), jnp.float32),
    )(s, cnt, h, w, b)


def _combine_lsm_body(s_ref, c_ref, h_ref, o_ref):
    g = _combine(s_ref, c_ref, h_ref)
    lane = lax.broadcasted_iota(jnp.int32, g.shape, 1)
    valid = lane < C
    gm = jnp.where(valid, g, -jnp.inf)
    m = jnp.max(gm, axis=1, keepdims=True)
    ex = jnp.where(valid, jnp.exp(g - m), 0.0)
    lse = jnp.log(jnp.sum(ex, axis=1, keepdims=True)) + m
    o_ref[...] = (g - lse)[:, :C]


def _combine_lsm(s, cnt, h):
    return pl.pallas_call(
        _combine_lsm_body,
        out_shape=jax.ShapeDtypeStruct((h.shape[0], C), jnp.float32),
    )(s, cnt, h)


def kernel(x, edge_index, W1, b1, W2, b2, W3, b3):
    row = edge_index[0]
    col = edge_index[1]
    z128 = jnp.zeros((NP, H), jnp.float32)
    z48 = jnp.zeros((NP, D3), jnp.float32)
    z16 = jnp.zeros((NP, CL), jnp.float32)
    w3p = jnp.zeros((D3, H), jnp.float32).at[:C].set(W3)
    b3p = jnp.zeros((1, D3), jnp.float32).at[:, :C].set(b3)

    h1 = _linear(x, W1, b1.reshape(1, -1))
    s1, cnt = _agg1(h1, row, col, z128, z16)
    h2 = _combine_linear(s1, cnt, h1, W2, b2.reshape(1, -1))
    (s2,) = _agg2(h2, row, col, z128)
    h3 = _combine_linear(s2, cnt, h2, w3p, b3p)
    (s3,) = _agg3(h3, row, col, z48)
    return _combine_lsm(s3, cnt, h3)

# --- scband reference (transcript-rebuilt; emitter-appended) ---
"""Pipeline reference for scband-gcnmodel-13692355740143 (READ-ONLY COPY).

The authoritative reference and input builder live on the scoring server;
editing this copy changes nothing except your own understanding.
"""

import jax, jax.numpy as jnp
import numpy as np

N = 10000
E = 320000
F_IN = 128
H = 128
C = 40


def setup_inputs(seed: int = 0) -> dict:
    key = jax.random.key(seed)
    ks = jax.random.split(key, 10)
    x = jax.random.normal(ks[0], (N, F_IN), dtype=jnp.float32)
    edge_index = jax.random.randint(ks[1], (2, E), 0, N, dtype=jnp.int32)
    # learned parameters (nn.Linear style: y = x @ W.T + b)
    W1 = jax.random.normal(ks[2], (H, F_IN), dtype=jnp.float32) * (1.0 / np.sqrt(F_IN))
    b1 = jnp.zeros((H,), dtype=jnp.float32)
    W2 = jax.random.normal(ks[3], (H, H), dtype=jnp.float32) * (1.0 / np.sqrt(H))
    b2 = jnp.zeros((H,), dtype=jnp.float32)
    W3 = jax.random.normal(ks[4], (C, H), dtype=jnp.float32) * (1.0 / np.sqrt(H))
    b3 = jnp.zeros((C,), dtype=jnp.float32)
    return {"x": x, "edge_index": edge_index, "W1": W1, "b1": b1, "W2": W2, "b2": b2, "W3": W3, "b3": b3}


def _gcn_layer(h_in, W, b, edge_index):
    # h = Linear(h_in)
    h = h_in @ W.T + b
    row = edge_index[0]
    col = edge_index[1]
    n = h.shape[0]
    e = row.shape[0]
    # out[i] = mean over neighbors {h[row[j]] : col[j] == i}; if no neighbors, out[i] = h[i]
    msg = jnp.take(h, row, axis=0)                      # gather [E, d]
    summed = jax.ops.segment_sum(msg, col, num_segments=n)   # scatter-add
    cnt = jax.ops.segment_sum(jnp.ones((e,), dtype=h.dtype), col, num_segments=n)
    mean = summed / jnp.maximum(cnt, 1.0)[:, None]
    out = jnp.where(cnt[:, None] > 0, mean, h)
    return out


def reference(x, edge_index, W1, b1, W2, b2, W3, b3):
    # dropout is identity in eval mode
    h = jax.nn.relu(_gcn_layer(x, W1, b1, edge_index))
    h = jax.nn.relu(_gcn_layer(h, W2, b2, edge_index))
    h = _gcn_layer(h, W3, b3, edge_index)
    return jax.nn.log_softmax(h, axis=1)

if __name__ == "__main__":
    import jax
    _d = setup_inputs()
    print(jax.jit(kernel)(*tuple(_d.values())))

</pallas_src>

<mosaic_0001>
#map = affine_map<(d0, d1) -> (0, 0)>
#map1 = affine_map<(d0, d1) -> (0)>
#map2 = affine_map<(d0, d1) -> (0, 0, 0)>
module attributes {stable_mosaic.version = 14 : i64} {
  func.func @body(%arg0: i32, %arg1: i32, %arg2: memref<10000x48xf32, #tpu.memory_space<hbm>>, %arg3: memref<320000xi32, #tpu.memory_space<hbm>>, %arg4: memref<320000xi32, #tpu.memory_space<hbm>>, %arg5: memref<10240x48xf32, #tpu.memory_space<hbm>>, %arg6: memref<2x10240x48xf32, #tpu.memory_space<hbm>>, %arg7: memref<10240x48xf32, #tpu.memory_space<vmem_shared>>, %arg8: memref<80xi32, #tpu.memory_space<vmem>>, %arg9: memref<80xi32, #tpu.memory_space<vmem>>, %arg10: memref<80x48xf32, #tpu.memory_space<vmem>>, %arg11: memref<!tpu.dma_semaphore, #tpu.memory_space<semaphore_mem>>) attributes {dimension_semantics = [#tpu.dimension_semantics<core_parallel>, #tpu.dimension_semantics<subcore_parallel>], iteration_bounds = array<i64: 2, 16>, scalar_prefetch = 0 : i64, scratch_operands = 5 : i64, tpu.core_type = #tpu.core_type<sc_vector_subcore>, window_params = [{transform_indices = #map}, {transform_indices = #map1}, {transform_indices = #map1}, {transform_indices = #map}, {transform_indices = #map2}]} {
    %mul3A = arith.constant 640 : i32
    %mul3A_0 = arith.muli %arg1, %mul3A : i32
    "tpu.region"() ({
      %run_scoped3A = tpu.sem_alloc : memref<!tpu.dma_semaphore, #tpu.memory_space<semaphore_mem>>
      %dma_start3A = arith.constant 0 : i32
      %dma_start3A_11 = tpu.memref_slice %arg7[%mul3A_0, %dma_start3A] : memref<10240x48xf32, #tpu.memory_space<vmem_shared>> -> memref<640x48xf32, #tpu.memory_space<vmem_shared>>
      %dma_start3A_12 = arith.constant 0 : i32
      %dma_start3A_13 = tpu.memref_slice %arg5[%mul3A_0, %dma_start3A_12] : memref<10240x48xf32, #tpu.memory_space<hbm>> -> memref<640x48xf32, #tpu.memory_space<hbm>>
      tpu.enqueue_dma source(%dma_start3A_13 : memref<640x48xf32, #tpu.memory_space<hbm>>) target(%dma_start3A_11 : memref<640x48xf32, #tpu.memory_space<vmem_shared>>) target_semaphore(%run_scoped3A : memref<!tpu.dma_semaphore, #tpu.memory_space<semaphore_mem>>)
      %dma_wait3A = arith.constant 0 : i32
      %dma_wait3A_14 = tpu.memref_slice %arg7[%mul3A_0, %dma_wait3A] : memref<10240x48xf32, #tpu.memory_space<vmem_shared>> -> memref<640x48xf32, #tpu.memory_space<vmem_shared>>
      %dma_wait3A_15 = arith.constant 0 : i32
      %dma_wait3A_16 = tpu.memref_slice %arg5[%mul3A_0, %dma_wait3A_15] : memref<10240x48xf32, #tpu.memory_space<hbm>> -> memref<640x48xf32, #tpu.memory_space<hbm>>
      tpu.wait_dma2 semaphore(%run_scoped3A : memref<!tpu.dma_semaphore, #tpu.memory_space<semaphore_mem>>) src(%dma_wait3A_16 : memref<640x48xf32, #tpu.memory_space<hbm>>) dst(%dma_wait3A_14 : memref<640x48xf32, #tpu.memory_space<vmem_shared>>)
      tpu.yield
    }) : () -> ()
    %barrier3A = arith.constant 0 : index
    tpu.barrier barrier_id(%barrier3A)
    %mul3A_1 = arith.constant 16 : i32
    %mul3A_2 = arith.muli %arg0, %mul3A_1 : i32
    %add3A = arith.addi %mul3A_2, %arg1 : i32
    %mul3A_3 = arith.constant 10000 : i32
    %mul3A_4 = arith.muli %add3A, %mul3A_3 : i32
    %scan3A = arith.constant 0 : i32
    %scan3A_5 = arith.constant 0 : i32
    %scan3A_6 = arith.constant 125 : i32
    %scan3A_7 = arith.addi %scan3A_5, %scan3A_6 : i32
    %scan3A_8 = arith.constant 1 : i32
    scf.for %scan3A_11 = %scan3A_5 to %scan3A_7 step %scan3A_8  : i32 {
      %mul3A_12 = arith.constant 80 : i32
      %mul3A_13 = arith.muli %scan3A_11, %mul3A_12 : i32
      %add3A_14 = arith.addi %mul3A_4, %mul3A_13 : i32
      "tpu.region"() ({
        %run_scoped3A = tpu.sem_alloc : memref<!tpu.dma_semaphore, #tpu.memory_space<semaphore_mem>>
        %dma_start3A_19 = tpu.memref_slice %arg3[%add3A_14] : memref<320000xi32, #tpu.memory_space<hbm>> -> memref<80xi32, #tpu.memory_space<hbm>>
        %dma_start3A_20 = tpu.memref_slice %arg3[%add3A_14] : memref<320000xi32, #tpu.memory_space<hbm>> -> memref<80xi32, #tpu.memory_space<hbm>>
        tpu.enqueue_dma source(%dma_start3A_20 : memref<80xi32, #tpu.memory_space<hbm>>) target(%arg8 : memref<80xi32, #tpu.memory_space<vmem>>) target_semaphore(%run_scoped3A : memref<!tpu.dma_semaphore, #tpu.memory_space<semaphore_mem>>)
        %dma_wait3A_21 = tpu.memref_slice %arg3[%add3A_14] : memref<320000xi32, #tpu.memory_space<hbm>> -> memref<80xi32, #tpu.memory_space<hbm>>
        %dma_wait3A_22 = tpu.memref_slice %arg3[%add3A_14] : memref<320000xi32, #tpu.memory_space<hbm>> -> memref<80xi32, #tpu.memory_space<hbm>>
        tpu.wait_dma2 semaphore(%run_scoped3A : memref<!tpu.dma_semaphore, #tpu.memory_space<semaphore_mem>>) src(%dma_wait3A_22 : memref<80xi32, #tpu.memory_space<hbm>>) dst(%arg8 : memref<80xi32, #tpu.memory_space<vmem>>)
        tpu.yield
      }) : () -> ()
      "tpu.region"() ({
        %run_scoped3A = tpu.sem_alloc : memref<!tpu.dma_semaphore, #tpu.memory_space<semaphore_mem>>
        %dma_start3A_19 = tpu.memref_slice %arg4[%add3A_14] : memref<320000xi32, #tpu.memory_space<hbm>> -> memref<80xi32, #tpu.memory_space<hbm>>
        %dma_start3A_20 = tpu.memref_slice %arg4[%add3A_14] : memref<320000xi32, #tpu.memory_space<hbm>> -> memref<80xi32, #tpu.memory_space<hbm>>
        tpu.enqueue_dma source(%dma_start3A_20 : memref<80xi32, #tpu.memory_space<hbm>>) target(%arg9 : memref<80xi32, #tpu.memory_space<vmem>>) target_semaphore(%run_scoped3A : memref<!tpu.dma_semaphore, #tpu.memory_space<semaphore_mem>>)
        %dma_wait3A_21 = tpu.memref_slice %arg4[%add3A_14] : memref<320000xi32, #tpu.memory_space<hbm>> -> memref<80xi32, #tpu.memory_space<hbm>>
        %dma_wait3A_22 = tpu.memref_slice %arg4[%add3A_14] : memref<320000xi32, #tpu.memory_space<hbm>> -> memref<80xi32, #tpu.memory_space<hbm>>
        tpu.wait_dma2 semaphore(%run_scoped3A : memref<!tpu.dma_semaphore, #tpu.memory_space<semaphore_mem>>) src(%dma_wait3A_22 : memref<80xi32, #tpu.memory_space<hbm>>) dst(%arg9 : memref<80xi32, #tpu.memory_space<vmem>>)
        tpu.yield
      }) : () -> ()
      %dma_start3A = arith.constant 0 : i32
      %dma_start3A_15 = arith.constant 0 : i32
      %dma_start3A_16 = tpu.memref_slice %arg2[%dma_start3A, %dma_start3A_15] : memref<10000x48xf32, #tpu.memory_space<hbm>> -> memref<10000x48xf32, #tpu.memory_space<hbm>>
      tpu.enqueue_indirect_dma source(%dma_start3A_16 : memref<10000x48xf32, #tpu.memory_space<hbm>>) target(%arg10 : memref<80x48xf32, #tpu.memory_space<vmem>>) offsets(%arg8 : memref<80xi32, #tpu.memory_space<vmem>>) semaphore(%arg11 : memref<!tpu.dma_semaphore, #tpu.memory_space<semaphore_mem>>)
      %dma_wait3A = arith.constant 0 : i32
      %dma_wait3A_17 = arith.constant 0 : i32
      %dma_wait3A_18 = tpu.memref_slice %arg2[%dma_wait3A, %dma_wait3A_17] : memref<10000x48xf32, #tpu.memory_space<hbm>> -> memref<10000x48xf32, #tpu.memory_space<hbm>>
      tpu.wait_indirect_dma semaphore(%arg11 : memref<!tpu.dma_semaphore, #tpu.memory_space<semaphore_mem>>) src(%dma_wait3A_18 : memref<10000x48xf32, #tpu.memory_space<hbm>>) dst(%arg10 : memref<80x48xf32, #tpu.memory_space<vmem>>)
      "tpu.region"() ({
        %run_scoped3A = tpu.sem_alloc : memref<!tpu.dma_semaphore, #tpu.memory_space<semaphore_mem>>
        %dma_start3A_19 = arith.constant 0 : i32
        %dma_start3A_20 = arith.constant 0 : i32
        %dma_start3A_21 = tpu.memref_slice %arg7[%dma_start3A_19, %dma_start3A_20] : memref<10240x48xf32, #tpu.memory_space<vmem_shared>> -> memref<10240x48xf32, #tpu.memory_space<vmem_shared>>
        tpu.enqueue_indirect_dma source(%arg10 : memref<80x48xf32, #tpu.memory_space<vmem>>) target(%dma_start3A_21 : memref<10240x48xf32, #tpu.memory_space<vmem_shared>>) offsets(%arg9 : memref<80xi32, #tpu.memory_space<vmem>>) semaphore(%run_scoped3A : memref<!tpu.dma_semaphore, #tpu.memory_space<semaphore_mem>>) {add = true}
        %dma_wait3A_22 = arith.constant 0 : i32
        %dma_wait3A_23 = arith.constant 0 : i32
        %dma_wait3A_24 = tpu.memref_slice %arg7[%dma_wait3A_22, %dma_wait3A_23] : memref<10240x48xf32, #tpu.memory_space<vmem_shared>> -> memref<10240x48xf32, #tpu.memory_space<vmem_shared>>
        tpu.wait_indirect_dma semaphore(%run_scoped3A : memref<!tpu.dma_semaphore, #tpu.memory_space<semaphore_mem>>) src(%arg10 : memref<80x48xf32, #tpu.memory_space<vmem>>) dst(%dma_wait3A_24 : memref<10240x48xf32, #tpu.memory_space<vmem_shared>>)
        tpu.yield
      }) : () -> ()
    }
    %scan3A_9 = arith.constant 125 : i32
    %barrier3A_10 = arith.constant 0 : index
    tpu.barrier barrier_id(%barrier3A_10)
    "tpu.region"() ({
      %run_scoped3A = tpu.sem_alloc : memref<!tpu.dma_semaphore, #tpu.memory_space<semaphore_mem>>
      %dma_start3A = arith.constant 0 : i32
      %dma_start3A_11 = tpu.memref_slice %arg6[%arg0, %mul3A_0, %dma_start3A] : memref<2x10240x48xf32, #tpu.memory_space<hbm>> -> memref<1x640x48xf32, #tpu.memory_space<hbm>>
      %dma_start3A_12 = tpu.memref_squeeze %dma_start3A_11 : memref<1x640x48xf32, #tpu.memory_space<hbm>> -> memref<640x48xf32, #tpu.memory_space<hbm>>
      %dma_start3A_13 = arith.constant 0 : i32
      %dma_start3A_14 = tpu.memref_slice %arg7[%mul3A_0, %dma_start3A_13] : memref<10240x48xf32, #tpu.memory_space<vmem_shared>> -> memref<640x48xf32, #tpu.memory_space<vmem_shared>>
      tpu.enqueue_dma source(%dma_start3A_14 : memref<640x48xf32, #tpu.memory_space<vmem_shared>>) target(%dma_start3A_12 : memref<640x48xf32, #tpu.memory_space<hbm>>) target_semaphore(%run_scoped3A : memref<!tpu.dma_semaphore, #tpu.memory_space<semaphore_mem>>)
      %dma_wait3A = arith.constant 0 : i32
      %dma_wait3A_15 = tpu.memref_slice %arg6[%arg0, %mul3A_0, %dma_wait3A] : memref<2x10240x48xf32, #tpu.memory_space<hbm>> -> memref<1x640x48xf32, #tpu.memory_space<hbm>>
      %dma_wait3A_16 = tpu.memref_squeeze %dma_wait3A_15 : memref<1x640x48xf32, #tpu.memory_space<hbm>> -> memref<640x48xf32, #tpu.memory_space<hbm>>
      %dma_wait3A_17 = arith.constant 0 : i32
      %dma_wait3A_18 = tpu.memref_slice %arg7[%mul3A_0, %dma_wait3A_17] : memref<10240x48xf32, #tpu.memory_space<vmem_shared>> -> memref<640x48xf32, #tpu.memory_space<vmem_shared>>
      tpu.wait_dma2 semaphore(%run_scoped3A : memref<!tpu.dma_semaphore, #tpu.memory_space<semaphore_mem>>) src(%dma_wait3A_18 : memref<640x48xf32, #tpu.memory_space<vmem_shared>>) dst(%dma_wait3A_16 : memref<640x48xf32, #tpu.memory_space<hbm>>)
      tpu.yield
    }) : () -> ()
    return
  }
}

#map = affine_map<(d0, d1) -> (0, 0)>
#map1 = affine_map<(d0, d1) -> (0)>
#map2 = affine_map<(d0, d1) -> (0, 0, 0)>
module attributes {stable_mosaic.version = 14 : i64} {
  func.func @body(%arg0: i32, %arg1: i32, %arg2: memref<10000x128xf32, #tpu.memory_space<hbm>>, %arg3: memref<320000xi32, #tpu.memory_space<hbm>>, %arg4: memref<320000xi32, #tpu.memory_space<hbm>>, %arg5: memref<10240x128xf32, #tpu.memory_space<hbm>>, %arg6: memref<10240x16xf32, #tpu.memory_space<hbm>>, %arg7: memref<2x10240x128xf32, #tpu.memory_space<hbm>>, %arg8: memref<2x10240x16xf32, #tpu.memory_space<hbm>>, %arg9: memref<10240x128xf32, #tpu.memory_space<vmem_shared>>, %arg10: memref<80xi32, #tpu.memory_space<vmem>>, %arg11: memref<80xi32, #tpu.memory_space<vmem>>, %arg12: memref<80x128xf32, #tpu.memory_space<vmem>>, %arg13: memref<!tpu.dma_semaphore, #tpu.memory_space<semaphore_mem>>, %arg14: memref<10240x16xf32, #tpu.memory_space<vmem_shared>>, %arg15: memref<80x16xf32, #tpu.memory_space<vmem>>) attributes {dimension_semantics = [#tpu.dimension_semantics<core_parallel>, #tpu.dimension_semantics<subcore_parallel>], iteration_bounds = array<i64: 2, 16>, scalar_prefetch = 0 : i64, scratch_operands = 7 : i64, tpu.core_type = #tpu.core_type<sc_vector_subcore>, window_params = [{transform_indices = #map}, {transform_indices = #map1}, {transform_indices = #map1}, {transform_indices = #map}, {transform_indices = #map}, {transform_indices = #map2}, {transform_indices = #map2}]} {
    %mul3A = arith.constant 640 : i32
    %mul3A_0 = arith.muli %arg1, %mul3A : i32
    "tpu.region"() ({
      %run_scoped3A = tpu.sem_alloc : memref<!tpu.dma_semaphore, #tpu.memory_space<semaphore_mem>>
      %dma_start3A = arith.constant 0 : i32
      %dma_start3A_17 = tpu.memref_slice %arg9[%mul3A_0, %dma_start3A] : memref<10240x128xf32, #tpu.memory_space<vmem_shared>> -> memref<640x128xf32, #tpu.memory_space<vmem_shared>>
      %dma_start3A_18 = arith.constant 0 : i32
      %dma_start3A_19 = tpu.memref_slice %arg5[%mul3A_0, %dma_start3A_18] : memref<10240x128xf32, #tpu.memory_space<hbm>> -> memref<640x128xf32, #tpu.memory_space<hbm>>
      tpu.enqueue_dma source(%dma_start3A_19 : memref<640x128xf32, #tpu.memory_space<hbm>>) target(%dma_start3A_17 : memref<640x128xf32, #tpu.memory_space<vmem_shared>>) target_semaphore(%run_scoped3A : memref<!tpu.dma_semaphore, #tpu.memory_space<semaphore_mem>>)
      %dma_wait3A = arith.constant 0 : i32
      %dma_wait3A_20 = tpu.memref_slice %arg9[%mul3A_0, %dma_wait3A] : memref<10240x128xf32, #tpu.memory_space<vmem_shared>> -> memref<640x128xf32, #tpu.memory_space<vmem_shared>>
      %dma_wait3A_21 = arith.constant 0 : i32
      %dma_wait3A_22 = tpu.memref_slice %arg5[%mul3A_0, %dma_wait3A_21] : memref<10240x128xf32, #tpu.memory_space<hbm>> -> memref<640x128xf32, #tpu.memory_space<hbm>>
      tpu.wait_dma2 semaphore(%run_scoped3A : memref<!tpu.dma_semaphore, #tpu.memory_space<semaphore_mem>>) src(%dma_wait3A_22 : memref<640x128xf32, #tpu.memory_space<hbm>>) dst(%dma_wait3A_20 : memref<640x128xf32, #tpu.memory_space<vmem_shared>>)
      tpu.yield
    }) : () -> ()
    "tpu.region"() ({
      %run_scoped3A = tpu.sem_alloc : memref<!tpu.dma_semaphore, #tpu.memory_space<semaphore_mem>>
      %dma_start3A = arith.constant 0 : i32
      %dma_start3A_17 = tpu.memref_slice %arg14[%mul3A_0, %dma_start3A] : memref<10240x16xf32, #tpu.memory_space<vmem_shared>> -> memref<640x16xf32, #tpu.memory_space<vmem_shared>>
      %dma_start3A_18 = arith.constant 0 : i32
      %dma_start3A_19 = tpu.memref_slice %arg6[%mul3A_0, %dma_start3A_18] : memref<10240x16xf32, #tpu.memory_space<hbm>> -> memref<640x16xf32, #tpu.memory_space<hbm>>
      tpu.enqueue_dma source(%dma_start3A_19 : memref<640x16xf32, #tpu.memory_space<hbm>>) target(%dma_start3A_17 : memref<640x16xf32, #tpu.memory_space<vmem_shared>>) target_semaphore(%run_scoped3A : memref<!tpu.dma_semaphore, #tpu.memory_space<semaphore_mem>>)
      %dma_wait3A = arith.constant 0 : i32
      %dma_wait3A_20 = tpu.memref_slice %arg14[%mul3A_0, %dma_wait3A] : memref<10240x16xf32, #tpu.memory_space<vmem_shared>> -> memref<640x16xf32, #tpu.memory_space<vmem_shared>>
      %dma_wait3A_21 = arith.constant 0 : i32
      %dma_wait3A_22 = tpu.memref_slice %arg6[%mul3A_0, %dma_wait3A_21] : memref<10240x16xf32, #tpu.memory_space<hbm>> -> memref<640x16xf32, #tpu.memory_space<hbm>>
      tpu.wait_dma2 semaphore(%run_scoped3A : memref<!tpu.dma_semaphore, #tpu.memory_space<semaphore_mem>>) src(%dma_wait3A_22 : memref<640x16xf32, #tpu.memory_space<hbm>>) dst(%dma_wait3A_20 : memref<640x16xf32, #tpu.memory_space<vmem_shared>>)
      tpu.yield
    }) : () -> ()
    %scan3A = arith.constant 0 : i32
    %scan3A_1 = arith.constant 0 : i32
    %scan3A_2 = arith.constant 80 : i32
    %scan3A_3 = arith.addi %scan3A_1, %scan3A_2 : i32
    %scan3A_4 = arith.constant 1 : i32
    scf.for %scan3A_17 = %scan3A_1 to %scan3A_3 step %scan3A_4  : i32 {
      %broadcast_in_dim3A = arith.constant 1.000000e+00 : f32
      %broadcast_in_dim3A_18 = vector.broadcast %broadcast_in_dim3A : f32 to vector<16xf32>
      %swap3A = arith.index_cast %scan3A_17 : i32 to index
      %swap3A_19 = arith.constant 0 : index
      %swap3A_20 = tpu.vector_load %arg15[%swap3A, %swap3A_19] {strides = array<i32>} : memref<80x16xf32, #tpu.memory_space<vmem>>, vector<1x16xf32>,
      %swap3A_21 = vector.shape_cast %swap3A_20 : vector<1x16xf32> to vector<16xf32>
      %swap3A_22 = vector.shape_cast %broadcast_in_dim3A_18 : vector<16xf32> to vector<1x16xf32>
      tpu.vector_store %arg15[%swap3A, %swap3A_19], %swap3A_22 {strides = array<i32>} : memref<80x16xf32, #tpu.memory_space<vmem>>, vector<1x16xf32>,
    }
    %scan3A_5 = arith.constant 80 : i32
    %barrier3A = arith.constant 0 : index
    tpu.barrier barrier_id(%barrier3A)
    %mul3A_6 = arith.constant 16 : i32
    %mul3A_7 = arith.muli %arg0, %mul3A_6 : i32
    %add3A = arith.addi %mul3A_7, %arg1 : i32
    %mul3A_8 = arith.constant 10000 : i32
    %mul3A_9 = arith.muli %add3A, %mul3A_8 : i32
    %scan3A_10 = arith.constant 0 : i32
    %scan3A_11 = arith.constant 0 : i32
    %scan3A_12 = arith.constant 125 : i32
    %scan3A_13 = arith.addi %scan3A_11, %scan3A_12 : i32
    %scan3A_14 = arith.constant 1 : i32
    scf.for %scan3A_17 = %scan3A_11 to %scan3A_13 step %scan3A_14  : i32 {
      %mul3A_18 = arith.constant 80 : i32
      %mul3A_19 = arith.muli %scan3A_17, %mul3A_18 : i32
      %add3A_20 = arith.addi %mul3A_9, %mul3A_19 : i32
      "tpu.region"() ({
        %run_scoped3A = tpu.sem_alloc : memref<!tpu.dma_semaphore, #tpu.memory_space<semaphore_mem>>
        %dma_start3A_25 = tpu.memref_slice %arg3[%add3A_20] : memref<320000xi32, #tpu.memory_space<hbm>> -> memref<80xi32, #tpu.memory_space<hbm>>
        %dma_start3A_26 = tpu.memref_slice %arg3[%add3A_20] : memref<320000xi32, #tpu.memory_space<hbm>> -> memref<80xi32, #tpu.memory_space<hbm>>
        tpu.enqueue_dma source(%dma_start3A_26 : memref<80xi32, #tpu.memory_space<hbm>>) target(%arg10 : memref<80xi32, #tpu.memory_space<vmem>>) target_semaphore(%run_scoped3A : memref<!tpu.dma_semaphore, #tpu.memory_space<semaphore_mem>>)
        %dma_wait3A_27 = tpu.memref_slice %arg3[%add3A_20] : memref<320000xi32, #tpu.memory_space<hbm>> -> memref<80xi32, #tpu.memory_space<hbm>>
        %dma_wait3A_28 = tpu.memref_slice %arg3[%add3A_20] : memref<320000xi32, #tpu.memory_space<hbm>> -> memref<80xi32, #tpu.memory_space<hbm>>
        tpu.wait_dma2 semaphore(%run_scoped3A : memref<!tpu.dma_semaphore, #tpu.memory_space<semaphore_mem>>) src(%dma_wait3A_28 : memref<80xi32, #tpu.memory_space<hbm>>) dst(%arg10 : memref<80xi32, #tpu.memory_space<vmem>>)
        tpu.yield
      }) : () -> ()
      "tpu.region"() ({
        %run_scoped3A = tpu.sem_alloc : memref<!tpu.dma_semaphore, #tpu.memory_space<semaphore_mem>>
        %dma_start3A_25 = tpu.memref_slice %arg4[%add3A_20] : memref<320000xi32, #tpu.memory_space<hbm>> -> memref<80xi32, #tpu.memory_space<hbm>>
        %dma_start3A_26 = tpu.memref_slice %arg4[%add3A_20] : memref<320000xi32, #tpu.memory_space<hbm>> -> memref<80xi32, #tpu.memory_space<hbm>>
        tpu.enqueue_dma source(%dma_start3A_26 : memref<80xi32, #tpu.memory_space<hbm>>) target(%arg11 : memref<80xi32, #tpu.memory_space<vmem>>) target_semaphore(%run_scoped3A : memref<!tpu.dma_semaphore, #tpu.memory_space<semaphore_mem>>)
        %dma_wait3A_27 = tpu.memref_slice %arg4[%add3A_20] : memref<320000xi32, #tpu.memory_space<hbm>> -> memref<80xi32, #tpu.memory_space<hbm>>
        %dma_wait3A_28 = tpu.memref_slice %arg4[%add3A_20] : memref<320000xi32, #tpu.memory_space<hbm>> -> memref<80xi32, #tpu.memory_space<hbm>>
        tpu.wait_dma2 semaphore(%run_scoped3A : memref<!tpu.dma_semaphore, #tpu.memory_space<semaphore_mem>>) src(%dma_wait3A_28 : memref<80xi32, #tpu.memory_space<hbm>>) dst(%arg11 : memref<80xi32, #tpu.memory_space<vmem>>)
        tpu.yield
      }) : () -> ()
      %dma_start3A = arith.constant 0 : i32
      %dma_start3A_21 = arith.constant 0 : i32
      %dma_start3A_22 = tpu.memref_slice %arg2[%dma_start3A, %dma_start3A_21] : memref<10000x128xf32, #tpu.memory_space<hbm>> -> memref<10000x128xf32, #tpu.memory_space<hbm>>
      tpu.enqueue_indirect_dma source(%dma_start3A_22 : memref<10000x128xf32, #tpu.memory_space<hbm>>) target(%arg12 : memref<80x128xf32, #tpu.memory_space<vmem>>) offsets(%arg10 : memref<80xi32, #tpu.memory_space<vmem>>) semaphore(%arg13 : memref<!tpu.dma_semaphore, #tpu.memory_space<semaphore_mem>>)
      %dma_wait3A = arith.constant 0 : i32
      %dma_wait3A_23 = arith.constant 0 : i32
      %dma_wait3A_24 = tpu.memref_slice %arg2[%dma_wait3A, %dma_wait3A_23] : memref<10000x128xf32, #tpu.memory_space<hbm>> -> memref<10000x128xf32, #tpu.memory_space<hbm>>
      tpu.wait_indirect_dma semaphore(%arg13 : memref<!tpu.dma_semaphore, #tpu.memory_space<semaphore_mem>>) src(%dma_wait3A_24 : memref<10000x128xf32, #tpu.memory_space<hbm>>) dst(%arg12 : memref<80x128xf32, #tpu.memory_space<vmem>>)
      "tpu.region"() ({
        %run_scoped3A = tpu.sem_alloc : memref<!tpu.dma_semaphore, #tpu.memory_space<semaphore_mem>>
        %dma_start3A_25 = arith.constant 0 : i32
        %dma_start3A_26 = arith.constant 0 : i32
        %dma_start3A_27 = tpu.memref_slice %arg9[%dma_start3A_25, %dma_start3A_26] : memref<10240x128xf32, #tpu.memory_space<vmem_shared>> -> memref<10240x128xf32, #tpu.memory_space<vmem_shared>>
        tpu.enqueue_indirect_dma source(%arg12 : memref<80x128xf32, #tpu.memory_space<vmem>>) target(%dma_start3A_27 : memref<10240x128xf32, #tpu.memory_space<vmem_shared>>) offsets(%arg11 : memref<80xi32, #tpu.memory_space<vmem>>) semaphore(%run_scoped3A : memref<!tpu.dma_semaphore, #tpu.memory_space<semaphore_mem>>) {add = true}
        %dma_wait3A_28 = arith.constant 0 : i32
        %dma_wait3A_29 = arith.constant 0 : i32
        %dma_wait3A_30 = tpu.memref_slice %arg9[%dma_wait3A_28, %dma_wait3A_29] : memref<10240x128xf32, #tpu.memory_space<vmem_shared>> -> memref<10240x128xf32, #tpu.memory_space<vmem_shared>>
        tpu.wait_indirect_dma semaphore(%run_scoped3A : memref<!tpu.dma_semaphore, #tpu.memory_space<semaphore_mem>>) src(%arg12 : memref<80x128xf32, #tpu.memory_space<vmem>>) dst(%dma_wait3A_30 : memref<10240x128xf32, #tpu.memory_space<vmem_shared>>)
        tpu.yield
      }) : () -> ()
      "tpu.region"() ({
        %run_scoped3A = tpu.sem_alloc : memref<!tpu.dma_semaphore, #tpu.memory_space<semaphore_mem>>
        %dma_start3A_25 = arith.constant 0 : i32
        %dma_start3A_26 = arith.constant 0 : i32
        %dma_start3A_27 = tpu.memref_slice %arg14[%dma_start3A_25, %dma_start3A_26] : memref<10240x16xf32, #tpu.memory_space<vmem_shared>> -> memref<10240x16xf32, #tpu.memory_space<vmem_shared>>
        tpu.enqueue_indirect_dma source(%arg15 : memref<80x16xf32, #tpu.memory_space<vmem>>) target(%dma_start3A_27 : memref<10240x16xf32, #tpu.memory_space<vmem_shared>>) offsets(%arg11 : memref<80xi32, #tpu.memory_space<vmem>>) semaphore(%run_scoped3A : memref<!tpu.dma_semaphore, #tpu.memory_space<semaphore_mem>>) {add = true}
        %dma_wait3A_28 = arith.constant 0 : i32
        %dma_wait3A_29 = arith.constant 0 : i32
        %dma_wait3A_30 = tpu.memref_slice %arg14[%dma_wait3A_28, %dma_wait3A_29] : memref<10240x16xf32, #tpu.memory_space<vmem_shared>> -> memref<10240x16xf32, #tpu.memory_space<vmem_shared>>
        tpu.wait_indirect_dma semaphore(%run_scoped3A : memref<!tpu.dma_semaphore, #tpu.memory_space<semaphore_mem>>) src(%arg15 : memref<80x16xf32, #tpu.memory_space<vmem>>) dst(%dma_wait3A_30 : memref<10240x16xf32, #tpu.memory_space<vmem_shared>>)
        tpu.yield
      }) : () -> ()
    }
    %scan3A_15 = arith.constant 125 : i32
    %barrier3A_16 = arith.constant 0 : index
    tpu.barrier barrier_id(%barrier3A_16)
    "tpu.region"() ({
      %run_scoped3A = tpu.sem_alloc : memref<!tpu.dma_semaphore, #tpu.memory_space<semaphore_mem>>
      %dma_start3A = arith.constant 0 : i32
      %dma_start3A_17 = tpu.memref_slice %arg7[%arg0, %mul3A_0, %dma_start3A] : memref<2x10240x128xf32, #tpu.memory_space<hbm>> -> memref<1x640x128xf32, #tpu.memory_space<hbm>>
      %dma_start3A_18 = tpu.memref_squeeze %dma_start3A_17 : memref<1x640x128xf32, #tpu.memory_space<hbm>> -> memref<640x128xf32, #tpu.memory_space<hbm>>
      %dma_start3A_19 = arith.constant 0 : i32
      %dma_start3A_20 = tpu.memref_slice %arg9[%mul3A_0, %dma_start3A_19] : memref<10240x128xf32, #tpu.memory_space<vmem_shared>> -> memref<640x128xf32, #tpu.memory_space<vmem_shared>>
      tpu.enqueue_dma source(%dma_start3A_20 : memref<640x128xf32, #tpu.memory_space<vmem_shared>>) target(%dma_start3A_18 : memref<640x128xf32, #tpu.memory_space<hbm>>) target_semaphore(%run_scoped3A : memref<!tpu.dma_semaphore, #tpu.memory_space<semaphore_mem>>)
      %dma_wait3A = arith.constant 0 : i32
      %dma_wait3A_21 = tpu.memref_slice %arg7[%arg0, %mul3A_0, %dma_wait3A] : memref<2x10240x128xf32, #tpu.memory_space<hbm>> -> memref<1x640x128xf32, #tpu.memory_space<hbm>>
      %dma_wait3A_22 = tpu.memref_squeeze %dma_wait3A_21 : memref<1x640x128xf32, #tpu.memory_space<hbm>> -> memref<640x128xf32, #tpu.memory_space<hbm>>
      %dma_wait3A_23 = arith.constant 0 : i32
      %dma_wait3A_24 = tpu.memref_slice %arg9[%mul3A_0, %dma_wait3A_23] : memref<10240x128xf32, #tpu.memory_space<vmem_shared>> -> memref<640x128xf32, #tpu.memory_space<vmem_shared>>
      tpu.wait_dma2 semaphore(%run_scoped3A : memref<!tpu.dma_semaphore, #tpu.memory_space<semaphore_mem>>) src(%dma_wait3A_24 : memref<640x128xf32, #tpu.memory_space<vmem_shared>>) dst(%dma_wait3A_22 : memref<640x128xf32, #tpu.memory_space<hbm>>)
      tpu.yield
    }) : () -> ()
    "tpu.region"() ({
      %run_scoped3A = tpu.sem_alloc : memref<!tpu.dma_semaphore, #tpu.memory_space<semaphore_mem>>
      %dma_start3A = arith.constant 0 : i32
      %dma_start3A_17 = tpu.memref_slice %arg8[%arg0, %mul3A_0, %dma_start3A] : memref<2x10240x16xf32, #tpu.memory_space<hbm>> -> memref<1x640x16xf32, #tpu.memory_space<hbm>>
      %dma_start3A_18 = tpu.memref_squeeze %dma_start3A_17 : memref<1x640x16xf32, #tpu.memory_space<hbm>> -> memref<640x16xf32, #tpu.memory_space<hbm>>
      %dma_start3A_19 = arith.constant 0 : i32
      %dma_start3A_20 = tpu.memref_slice %arg14[%mul3A_0, %dma_start3A_19] : memref<10240x16xf32, #tpu.memory_space<vmem_shared>> -> memref<640x16xf32, #tpu.memory_space<vmem_shared>>
      tpu.enqueue_dma source(%dma_start3A_20 : memref<640x16xf32, #tpu.memory_space<vmem_shared>>) target(%dma_start3A_18 : memref<640x16xf32, #tpu.memory_space<hbm>>) target_semaphore(%run_scoped3A : memref<!tpu.dma_semaphore, #tpu.memory_space<semaphore_mem>>)
      %dma_wait3A = arith.constant 0 : i32
      %dma_wait3A_21 = tpu.memref_slice %arg8[%arg0, %mul3A_0, %dma_wait3A] : memref<2x10240x16xf32, #tpu.memory_space<hbm>> -> memref<1x640x16xf32, #tpu.memory_space<hbm>>
      %dma_wait3A_22 = tpu.memref_squeeze %dma_wait3A_21 : memref<1x640x16xf32, #tpu.memory_space<hbm>> -> memref<640x16xf32, #tpu.memory_space<hbm>>
      %dma_wait3A_23 = arith.constant 0 : i32
      %dma_wait3A_24 = tpu.memref_slice %arg14[%mul3A_0, %dma_wait3A_23] : memref<10240x16xf32, #tpu.memory_space<vmem_shared>> -> memref<640x16xf32, #tpu.memory_space<vmem_shared>>
      tpu.wait_dma2 semaphore(%run_scoped3A : memref<!tpu.dma_semaphore, #tpu.memory_space<semaphore_mem>>) src(%dma_wait3A_24 : memref<640x16xf32, #tpu.memory_space<vmem_shared>>) dst(%dma_wait3A_22 : memref<640x16xf32, #tpu.memory_space<hbm>>)
      tpu.yield
    }) : () -> ()
    return
  }
}

#map = affine_map<(d0, d1) -> (0, 0)>
#map1 = affine_map<(d0, d1) -> (0)>
#map2 = affine_map<(d0, d1) -> (0, 0, 0)>
module attributes {stable_mosaic.version = 14 : i64} {
  func.func @body(%arg0: i32, %arg1: i32, %arg2: memref<10000x128xf32, #tpu.memory_space<hbm>>, %arg3: memref<320000xi32, #tpu.memory_space<hbm>>, %arg4: memref<320000xi32, #tpu.memory_space<hbm>>, %arg5: memref<10240x128xf32, #tpu.memory_space<hbm>>, %arg6: memref<2x10240x128xf32, #tpu.memory_space<hbm>>, %arg7: memref<10240x128xf32, #tpu.memory_space<vmem_shared>>, %arg8: memref<80xi32, #tpu.memory_space<vmem>>, %arg9: memref<80xi32, #tpu.memory_space<vmem>>, %arg10: memref<80x128xf32, #tpu.memory_space<vmem>>, %arg11: memref<!tpu.dma_semaphore, #tpu.memory_space<semaphore_mem>>) attributes {dimension_semantics = [#tpu.dimension_semantics<core_parallel>, #tpu.dimension_semantics<subcore_parallel>], iteration_bounds = array<i64: 2, 16>, scalar_prefetch = 0 : i64, scratch_operands = 5 : i64, tpu.core_type = #tpu.core_type<sc_vector_subcore>, window_params = [{transform_indices = #map}, {transform_indices = #map1}, {transform_indices = #map1}, {transform_indices = #map}, {transform_indices = #map2}]} {
    %mul3A = arith.constant 640 : i32
    %mul3A_0 = arith.muli %arg1, %mul3A : i32
    "tpu.region"() ({
      %run_scoped3A = tpu.sem_alloc : memref<!tpu.dma_semaphore, #tpu.memory_space<semaphore_mem>>
      %dma_start3A = arith.constant 0 : i32
      %dma_start3A_11 = tpu.memref_slice %arg7[%mul3A_0, %dma_start3A] : memref<10240x128xf32, #tpu.memory_space<vmem_shared>> -> memref<640x128xf32, #tpu.memory_space<vmem_shared>>
      %dma_start3A_12 = arith.constant 0 : i32
      %dma_start3A_13 = tpu.memref_slice %arg5[%mul3A_0, %dma_start3A_12] : memref<10240x128xf32, #tpu.memory_space<hbm>> -> memref<640x128xf32, #tpu.memory_space<hbm>>
      tpu.enqueue_dma source(%dma_start3A_13 : memref<640x128xf32, #tpu.memory_space<hbm>>) target(%dma_start3A_11 : memref<640x128xf32, #tpu.memory_space<vmem_shared>>) target_semaphore(%run_scoped3A : memref<!tpu.dma_semaphore, #tpu.memory_space<semaphore_mem>>)
      %dma_wait3A = arith.constant 0 : i32
      %dma_wait3A_14 = tpu.memref_slice %arg7[%mul3A_0, %dma_wait3A] : memref<10240x128xf32, #tpu.memory_space<vmem_shared>> -> memref<640x128xf32, #tpu.memory_space<vmem_shared>>
      %dma_wait3A_15 = arith.constant 0 : i32
      %dma_wait3A_16 = tpu.memref_slice %arg5[%mul3A_0, %dma_wait3A_15] : memref<10240x128xf32, #tpu.memory_space<hbm>> -> memref<640x128xf32, #tpu.memory_space<hbm>>
      tpu.wait_dma2 semaphore(%run_scoped3A : memref<!tpu.dma_semaphore, #tpu.memory_space<semaphore_mem>>) src(%dma_wait3A_16 : memref<640x128xf32, #tpu.memory_space<hbm>>) dst(%dma_wait3A_14 : memref<640x128xf32, #tpu.memory_space<vmem_shared>>)
      tpu.yield
    }) : () -> ()
    %barrier3A = arith.constant 0 : index
    tpu.barrier barrier_id(%barrier3A)
    %mul3A_1 = arith.constant 16 : i32
    %mul3A_2 = arith.muli %arg0, %mul3A_1 : i32
    %add3A = arith.addi %mul3A_2, %arg1 : i32
    %mul3A_3 = arith.constant 10000 : i32
    %mul3A_4 = arith.muli %add3A, %mul3A_3 : i32
    %scan3A = arith.constant 0 : i32
    %scan3A_5 = arith.constant 0 : i32
    %scan3A_6 = arith.constant 125 : i32
    %scan3A_7 = arith.addi %scan3A_5, %scan3A_6 : i32
    %scan3A_8 = arith.constant 1 : i32
    scf.for %scan3A_11 = %scan3A_5 to %scan3A_7 step %scan3A_8  : i32 {
      %mul3A_12 = arith.constant 80 : i32
      %mul3A_13 = arith.muli %scan3A_11, %mul3A_12 : i32
      %add3A_14 = arith.addi %mul3A_4, %mul3A_13 : i32
      "tpu.region"() ({
        %run_scoped3A = tpu.sem_alloc : memref<!tpu.dma_semaphore, #tpu.memory_space<semaphore_mem>>
        %dma_start3A_19 = tpu.memref_slice %arg3[%add3A_14] : memref<320000xi32, #tpu.memory_space<hbm>> -> memref<80xi32, #tpu.memory_space<hbm>>
        %dma_start3A_20 = tpu.memref_slice %arg3[%add3A_14] : memref<320000xi32, #tpu.memory_space<hbm>> -> memref<80xi32, #tpu.memory_space<hbm>>
        tpu.enqueue_dma source(%dma_start3A_20 : memref<80xi32, #tpu.memory_space<hbm>>) target(%arg8 : memref<80xi32, #tpu.memory_space<vmem>>) target_semaphore(%run_scoped3A : memref<!tpu.dma_semaphore, #tpu.memory_space<semaphore_mem>>)
        %dma_wait3A_21 = tpu.memref_slice %arg3[%add3A_14] : memref<320000xi32, #tpu.memory_space<hbm>> -> memref<80xi32, #tpu.memory_space<hbm>>
        %dma_wait3A_22 = tpu.memref_slice %arg3[%add3A_14] : memref<320000xi32, #tpu.memory_space<hbm>> -> memref<80xi32, #tpu.memory_space<hbm>>
        tpu.wait_dma2 semaphore(%run_scoped3A : memref<!tpu.dma_semaphore, #tpu.memory_space<semaphore_mem>>) src(%dma_wait3A_22 : memref<80xi32, #tpu.memory_space<hbm>>) dst(%arg8 : memref<80xi32, #tpu.memory_space<vmem>>)
        tpu.yield
      }) : () -> ()
      "tpu.region"() ({
        %run_scoped3A = tpu.sem_alloc : memref<!tpu.dma_semaphore, #tpu.memory_space<semaphore_mem>>
        %dma_start3A_19 = tpu.memref_slice %arg4[%add3A_14] : memref<320000xi32, #tpu.memory_space<hbm>> -> memref<80xi32, #tpu.memory_space<hbm>>
        %dma_start3A_20 = tpu.memref_slice %arg4[%add3A_14] : memref<320000xi32, #tpu.memory_space<hbm>> -> memref<80xi32, #tpu.memory_space<hbm>>
        tpu.enqueue_dma source(%dma_start3A_20 : memref<80xi32, #tpu.memory_space<hbm>>) target(%arg9 : memref<80xi32, #tpu.memory_space<vmem>>) target_semaphore(%run_scoped3A : memref<!tpu.dma_semaphore, #tpu.memory_space<semaphore_mem>>)
        %dma_wait3A_21 = tpu.memref_slice %arg4[%add3A_14] : memref<320000xi32, #tpu.memory_space<hbm>> -> memref<80xi32, #tpu.memory_space<hbm>>
        %dma_wait3A_22 = tpu.memref_slice %arg4[%add3A_14] : memref<320000xi32, #tpu.memory_space<hbm>> -> memref<80xi32, #tpu.memory_space<hbm>>
        tpu.wait_dma2 semaphore(%run_scoped3A : memref<!tpu.dma_semaphore, #tpu.memory_space<semaphore_mem>>) src(%dma_wait3A_22 : memref<80xi32, #tpu.memory_space<hbm>>) dst(%arg9 : memref<80xi32, #tpu.memory_space<vmem>>)
        tpu.yield
      }) : () -> ()
      %dma_start3A = arith.constant 0 : i32
      %dma_start3A_15 = arith.constant 0 : i32
      %dma_start3A_16 = tpu.memref_slice %arg2[%dma_start3A, %dma_start3A_15] : memref<10000x128xf32, #tpu.memory_space<hbm>> -> memref<10000x128xf32, #tpu.memory_space<hbm>>
      tpu.enqueue_indirect_dma source(%dma_start3A_16 : memref<10000x128xf32, #tpu.memory_space<hbm>>) target(%arg10 : memref<80x128xf32, #tpu.memory_space<vmem>>) offsets(%arg8 : memref<80xi32, #tpu.memory_space<vmem>>) semaphore(%arg11 : memref<!tpu.dma_semaphore, #tpu.memory_space<semaphore_mem>>)
      %dma_wait3A = arith.constant 0 : i32
      %dma_wait3A_17 = arith.constant 0 : i32
      %dma_wait3A_18 = tpu.memref_slice %arg2[%dma_wait3A, %dma_wait3A_17] : memref<10000x128xf32, #tpu.memory_space<hbm>> -> memref<10000x128xf32, #tpu.memory_space<hbm>>
      tpu.wait_indirect_dma semaphore(%arg11 : memref<!tpu.dma_semaphore, #tpu.memory_space<semaphore_mem>>) src(%dma_wait3A_18 : memref<10000x128xf32, #tpu.memory_space<hbm>>) dst(%arg10 : memref<80x128xf32, #tpu.memory_space<vmem>>)
      "tpu.region"() ({
        %run_scoped3A = tpu.sem_alloc : memref<!tpu.dma_semaphore, #tpu.memory_space<semaphore_mem>>
        %dma_start3A_19 = arith.constant 0 : i32
        %dma_start3A_20 = arith.constant 0 : i32
        %dma_start3A_21 = tpu.memref_slice %arg7[%dma_start3A_19, %dma_start3A_20] : memref<10240x128xf32, #tpu.memory_space<vmem_shared>> -> memref<10240x128xf32, #tpu.memory_space<vmem_shared>>
        tpu.enqueue_indirect_dma source(%arg10 : memref<80x128xf32, #tpu.memory_space<vmem>>) target(%dma_start3A_21 : memref<10240x128xf32, #tpu.memory_space<vmem_shared>>) offsets(%arg9 : memref<80xi32, #tpu.memory_space<vmem>>) semaphore(%run_scoped3A : memref<!tpu.dma_semaphore, #tpu.memory_space<semaphore_mem>>) {add = true}
        %dma_wait3A_22 = arith.constant 0 : i32
        %dma_wait3A_23 = arith.constant 0 : i32
        %dma_wait3A_24 = tpu.memref_slice %arg7[%dma_wait3A_22, %dma_wait3A_23] : memref<10240x128xf32, #tpu.memory_space<vmem_shared>> -> memref<10240x128xf32, #tpu.memory_space<vmem_shared>>
        tpu.wait_indirect_dma semaphore(%run_scoped3A : memref<!tpu.dma_semaphore, #tpu.memory_space<semaphore_mem>>) src(%arg10 : memref<80x128xf32, #tpu.memory_space<vmem>>) dst(%dma_wait3A_24 : memref<10240x128xf32, #tpu.memory_space<vmem_shared>>)
        tpu.yield
      }) : () -> ()
    }
    %scan3A_9 = arith.constant 125 : i32
    %barrier3A_10 = arith.constant 0 : index
    tpu.barrier barrier_id(%barrier3A_10)
    "tpu.region"() ({
      %run_scoped3A = tpu.sem_alloc : memref<!tpu.dma_semaphore, #tpu.memory_space<semaphore_mem>>
      %dma_start3A = arith.constant 0 : i32
      %dma_start3A_11 = tpu.memref_slice %arg6[%arg0, %mul3A_0, %dma_start3A] : memref<2x10240x128xf32, #tpu.memory_space<hbm>> -> memref<1x640x128xf32, #tpu.memory_space<hbm>>
      %dma_start3A_12 = tpu.memref_squeeze %dma_start3A_11 : memref<1x640x128xf32, #tpu.memory_space<hbm>> -> memref<640x128xf32, #tpu.memory_space<hbm>>
      %dma_start3A_13 = arith.constant 0 : i32
      %dma_start3A_14 = tpu.memref_slice %arg7[%mul3A_0, %dma_start3A_13] : memref<10240x128xf32, #tpu.memory_space<vmem_shared>> -> memref<640x128xf32, #tpu.memory_space<vmem_shared>>
      tpu.enqueue_dma source(%dma_start3A_14 : memref<640x128xf32, #tpu.memory_space<vmem_shared>>) target(%dma_start3A_12 : memref<640x128xf32, #tpu.memory_space<hbm>>) target_semaphore(%run_scoped3A : memref<!tpu.dma_semaphore, #tpu.memory_space<semaphore_mem>>)
      %dma_wait3A = arith.constant 0 : i32
      %dma_wait3A_15 = tpu.memref_slice %arg6[%arg0, %mul3A_0, %dma_wait3A] : memref<2x10240x128xf32, #tpu.memory_space<hbm>> -> memref<1x640x128xf32, #tpu.memory_space<hbm>>
      %dma_wait3A_16 = tpu.memref_squeeze %dma_wait3A_15 : memref<1x640x128xf32, #tpu.memory_space<hbm>> -> memref<640x128xf32, #tpu.memory_space<hbm>>
      %dma_wait3A_17 = arith.constant 0 : i32
      %dma_wait3A_18 = tpu.memref_slice %arg7[%mul3A_0, %dma_wait3A_17] : memref<10240x128xf32, #tpu.memory_space<vmem_shared>> -> memref<640x128xf32, #tpu.memory_space<vmem_shared>>
      tpu.wait_dma2 semaphore(%run_scoped3A : memref<!tpu.dma_semaphore, #tpu.memory_space<semaphore_mem>>) src(%dma_wait3A_18 : memref<640x128xf32, #tpu.memory_space<vmem_shared>>) dst(%dma_wait3A_16 : memref<640x128xf32, #tpu.memory_space<hbm>>)
      tpu.yield
    }) : () -> ()
    return
  }
}

module attributes {stable_mosaic.version = 14 : i64} {
  func.func @_linear_body(%arg0: memref<10000x128xf32, #tpu.memory_space<vmem>>, %arg1: memref<128x128xf32, #tpu.memory_space<vmem>>, %arg2: memref<1x128xf32, #tpu.memory_space<vmem>>, %arg3: memref<10000x128xf32, #tpu.memory_space<vmem>>) attributes {dimension_semantics = [], scalar_prefetch = 0 : i64, scratch_operands = 0 : i64, tpu.core_type = #tpu.core_type<tc>} {
    %get3A = arith.constant 0 : index
    %get3A_0 = arith.constant 0 : index
    %get3A_1 = vector.load %arg0[%get3A, %get3A_0] : memref<10000x128xf32, #tpu.memory_space<vmem>>, vector<10000x128xf32>
    %get3A_2 = arith.constant 0 : index
    %get3A_3 = arith.constant 0 : index
    %get3A_4 = vector.load %arg1[%get3A_2, %get3A_3] : memref<128x128xf32, #tpu.memory_space<vmem>>, vector<128x128xf32>
    %dot_general3A = arith.constant dense<0.000000e+00> : vector<10000x128xf32>
    %dot_general3A_5 = tpu.matmul %get3A_1, %get3A_4, %dot_general3A {dimension_numbers = #tpu.dot_dimension_numbers<[1], [1], [0], [0], [0, 0, 1, 0], [], []>, transpose_lhs_hint = false} : vector<10000x128xf32>, vector<128x128xf32>, vector<10000x128xf32> -> vector<10000x128xf32>
    %get3A_6 = arith.constant 0 : index
    %get3A_7 = arith.constant 0 : index
    %get3A_8 = vector.load %arg2[%get3A_6, %get3A_7] : memref<1x128xf32, #tpu.memory_space<vmem>>, vector<1x128xf32>
    %add3A = vector.broadcast %get3A_8 : vector<1x128xf32> to vector<10000x128xf32>
    %add3A_9 = arith.addf %dot_general3A_5, %add3A : vector<10000x128xf32>
    %swap3A = arith.constant 0 : index
    %swap3A_10 = arith.constant 0 : index
    %swap3A_11 = vector.load %arg3[%swap3A, %swap3A_10] : memref<10000x128xf32, #tpu.memory_space<vmem>>, vector<10000x128xf32>
    tpu.vector_store %arg3[%swap3A, %swap3A_10], %add3A_9 {strides = array<i32>} : memref<10000x128xf32, #tpu.memory_space<vmem>>, vector<10000x128xf32>,
    return
  }
}

module attributes {stable_mosaic.version = 14 : i64} {
  func.func @_combine_linear_body(%arg0: memref<2x10240x128xf32, #tpu.memory_space<vmem>>, %arg1: memref<2x10240x16xf32, #tpu.memory_space<vmem>>, %arg2: memref<10000x128xf32, #tpu.memory_space<vmem>>, %arg3: memref<128x128xf32, #tpu.memory_space<vmem>>, %arg4: memref<1x128xf32, #tpu.memory_space<vmem>>, %arg5: memref<10000x128xf32, #tpu.memory_space<vmem>>) attributes {dimension_semantics = [], scalar_prefetch = 0 : i64, scratch_operands = 0 : i64, tpu.core_type = #tpu.core_type<tc>} {
    %get3A = arith.constant 0 : index
    %get3A_0 = arith.constant 0 : index
    %get3A_1 = arith.constant 0 : index
    %get3A_2 = vector.load %arg0[%get3A, %get3A_0, %get3A_1] : memref<2x10240x128xf32, #tpu.memory_space<vmem>>, vector<2x10240x128xf32>
    %get3A_3 = arith.constant 0 : index
    %get3A_4 = arith.constant 0 : index
    %get3A_5 = arith.constant 0 : index
    %get3A_6 = vector.load %arg1[%get3A_3, %get3A_4, %get3A_5] : memref<2x10240x16xf32, #tpu.memory_space<vmem>>, vector<2x10240x16xf32>
    %slice3A = vector.extract_strided_slice %get3A_2 {offsets = [0, 0, 0], sizes = [1, 10000, 128], strides = [1, 1, 1]} : vector<2x10240x128xf32> to vector<1x10000x128xf32>
    %squeeze3A = vector.shape_cast %slice3A : vector<1x10000x128xf32> to vector<10000x128xf32>
    %slice3A_7 = vector.extract_strided_slice %get3A_2 {offsets = [1, 0, 0], sizes = [1, 10000, 128], strides = [1, 1, 1]} : vector<2x10240x128xf32> to vector<1x10000x128xf32>
    %squeeze3A_8 = vector.shape_cast %slice3A_7 : vector<1x10000x128xf32> to vector<10000x128xf32>
    %add3A = arith.addf %squeeze3A, %squeeze3A_8 : vector<10000x128xf32>
    %slice3A_9 = vector.extract_strided_slice %get3A_6 {offsets = [0, 0, 0], sizes = [1, 10000, 16], strides = [1, 1, 1]} : vector<2x10240x16xf32> to vector<1x10000x16xf32>
    %squeeze3A_10 = vector.shape_cast %slice3A_9 : vector<1x10000x16xf32> to vector<10000x16xf32>
    %slice3A_11 = vector.extract_strided_slice %get3A_6 {offsets = [1, 0, 0], sizes = [1, 10000, 16], strides = [1, 1, 1]} : vector<2x10240x16xf32> to vector<1x10000x16xf32>
    %squeeze3A_12 = vector.shape_cast %slice3A_11 : vector<1x10000x16xf32> to vector<10000x16xf32>
    %add3A_13 = arith.addf %squeeze3A_10, %squeeze3A_12 : vector<10000x16xf32>
    %reduce_max3A = arith.constant dense<0xFF800000> : vector<10000xf32>
    %reduce_max3A_14 = vector.multi_reduction <maximumf>, %add3A_13, %reduce_max3A [1] : vector<10000x16xf32> to vector<10000xf32>
    %broadcast_in_dim3A = vector.shape_cast %reduce_max3A_14 : vector<10000xf32> to vector<10000x1xf32>
    %max3A = arith.constant 1.000000e+00 : f32
    %max3A_15 = vector.broadcast %max3A : f32 to vector<10000x1xf32>
    %max3A_16 = arith.maximumf %broadcast_in_dim3A, %max3A_15 : vector<10000x1xf32>
    %div3A = vector.broadcast %max3A_16 : vector<10000x1xf32> to vector<10000x128xf32>
    %div3A_17 = arith.divf %add3A, %div3A : vector<10000x128xf32>
    %gt3A = arith.constant 0.000000e+00 : f32
    %gt3A_18 = vector.broadcast %gt3A : f32 to vector<10000x1xf32>
    %gt3A_19 = arith.cmpf ogt, %broadcast_in_dim3A, %gt3A_18 : vector<10000x1xf32>
    %get3A_20 = arith.constant 0 : index
    %get3A_21 = arith.constant 0 : index
    %get3A_22 = vector.load %arg2[%get3A_20, %get3A_21] : memref<10000x128xf32, #tpu.memory_space<vmem>>, vector<10000x128xf32>
    %broadcast_in_dim3A_23 = vector.shape_cast %gt3A_19 : vector<10000x1xi1> to vector<10000x1xi1>
    %broadcast_in_dim3A_24 = vector.broadcast %broadcast_in_dim3A_23 : vector<10000x1xi1> to vector<10000x128xi1>
    %select_n3A = arith.select %broadcast_in_dim3A_24, %div3A_17, %get3A_22 : vector<10000x128xi1>, vector<10000x128xf32>
    %max3A_25 = arith.constant 0.000000e+00 : f32
    %max3A_26 = vector.broadcast %max3A_25 : f32 to vector<10000x128xf32>
    %max3A_27 = arith.maximumf %select_n3A, %max3A_26 : vector<10000x128xf32>
    %get3A_28 = arith.constant 0 : index
    %get3A_29 = arith.constant 0 : index
    %get3A_30 = vector.load %arg3[%get3A_28, %get3A_29] : memref<128x128xf32, #tpu.memory_space<vmem>>, vector<128x128xf32>
    %dot_general3A = arith.constant dense<0.000000e+00> : vector<10000x128xf32>
    %dot_general3A_31 = tpu.matmul %max3A_27, %get3A_30, %dot_general3A {dimension_numbers = #tpu.dot_dimension_numbers<[1], [1], [0], [0], [0, 0, 1, 0], [], []>, transpose_lhs_hint = false} : vector<10000x128xf32>, vector<128x128xf32>, vector<10000x128xf32> -> vector<10000x128xf32>
    %get3A_32 = arith.constant 0 : index
    %get3A_33 = arith.constant 0 : index
    %get3A_34 = vector.load %arg4[%get3A_32, %get3A_33] : memref<1x128xf32, #tpu.memory_space<vmem>>, vector<1x128xf32>
    %add3A_35 = vector.broadcast %get3A_34 : vector<1x128xf32> to vector<10000x128xf32>
    %add3A_36 = arith.addf %dot_general3A_31, %add3A_35 : vector<10000x128xf32>
    %swap3A = arith.constant 0 : index
    %swap3A_37 = arith.constant 0 : index
    %swap3A_38 = vector.load %arg5[%swap3A, %swap3A_37] : memref<10000x128xf32, #tpu.memory_space<vmem>>, vector<10000x128xf32>
    tpu.vector_store %arg5[%swap3A, %swap3A_37], %add3A_36 {strides = array<i32>} : memref<10000x128xf32, #tpu.memory_space<vmem>>, vector<10000x128xf32>,
    return
  }
}

module attributes {stable_mosaic.version = 14 : i64} {
  func.func @_combine_linear_body(%arg0: memref<2x10240x128xf32, #tpu.memory_space<vmem>>, %arg1: memref<2x10240x16xf32, #tpu.memory_space<vmem>>, %arg2: memref<10000x128xf32, #tpu.memory_space<vmem>>, %arg3: memref<48x128xf32, #tpu.memory_space<vmem>>, %arg4: memref<1x48xf32, #tpu.memory_space<vmem>>, %arg5: memref<10000x48xf32, #tpu.memory_space<vmem>>) attributes {dimension_semantics = [], scalar_prefetch = 0 : i64, scratch_operands = 0 : i64, tpu.core_type = #tpu.core_type<tc>} {
    %get3A = arith.constant 0 : index
    %get3A_0 = arith.constant 0 : index
    %get3A_1 = arith.constant 0 : index
    %get3A_2 = vector.load %arg0[%get3A, %get3A_0, %get3A_1] : memref<2x10240x128xf32, #tpu.memory_space<vmem>>, vector<2x10240x128xf32>
    %get3A_3 = arith.constant 0 : index
    %get3A_4 = arith.constant 0 : index
    %get3A_5 = arith.constant 0 : index
    %get3A_6 = vector.load %arg1[%get3A_3, %get3A_4, %get3A_5] : memref<2x10240x16xf32, #tpu.memory_space<vmem>>, vector<2x10240x16xf32>
    %slice3A = vector.extract_strided_slice %get3A_2 {offsets = [0, 0, 0], sizes = [1, 10000, 128], strides = [1, 1, 1]} : vector<2x10240x128xf32> to vector<1x10000x128xf32>
    %squeeze3A = vector.shape_cast %slice3A : vector<1x10000x128xf32> to vector<10000x128xf32>
    %slice3A_7 = vector.extract_strided_slice %get3A_2 {offsets = [1, 0, 0], sizes = [1, 10000, 128], strides = [1, 1, 1]} : vector<2x10240x128xf32> to vector<1x10000x128xf32>
    %squeeze3A_8 = vector.shape_cast %slice3A_7 : vector<1x10000x128xf32> to vector<10000x128xf32>
    %add3A = arith.addf %squeeze3A, %squeeze3A_8 : vector<10000x128xf32>
    %slice3A_9 = vector.extract_strided_slice %get3A_6 {offsets = [0, 0, 0], sizes = [1, 10000, 16], strides = [1, 1, 1]} : vector<2x10240x16xf32> to vector<1x10000x16xf32>
    %squeeze3A_10 = vector.shape_cast %slice3A_9 : vector<1x10000x16xf32> to vector<10000x16xf32>
    %slice3A_11 = vector.extract_strided_slice %get3A_6 {offsets = [1, 0, 0], sizes = [1, 10000, 16], strides = [1, 1, 1]} : vector<2x10240x16xf32> to vector<1x10000x16xf32>
    %squeeze3A_12 = vector.shape_cast %slice3A_11 : vector<1x10000x16xf32> to vector<10000x16xf32>
    %add3A_13 = arith.addf %squeeze3A_10, %squeeze3A_12 : vector<10000x16xf32>
    %reduce_max3A = arith.constant dense<0xFF800000> : vector<10000xf32>
    %reduce_max3A_14 = vector.multi_reduction <maximumf>, %add3A_13, %reduce_max3A [1] : vector<10000x16xf32> to vector<10000xf32>
    %broadcast_in_dim3A = vector.shape_cast %reduce_max3A_14 : vector<10000xf32> to vector<10000x1xf32>
    %max3A = arith.constant 1.000000e+00 : f32
    %max3A_15 = vector.broadcast %max3A : f32 to vector<10000x1xf32>
    %max3A_16 = arith.maximumf %broadcast_in_dim3A, %max3A_15 : vector<10000x1xf32>
    %div3A = vector.broadcast %max3A_16 : vector<10000x1xf32> to vector<10000x128xf32>
    %div3A_17 = arith.divf %add3A, %div3A : vector<10000x128xf32>
    %gt3A = arith.constant 0.000000e+00 : f32
    %gt3A_18 = vector.broadcast %gt3A : f32 to vector<10000x1xf32>
    %gt3A_19 = arith.cmpf ogt, %broadcast_in_dim3A, %gt3A_18 : vector<10000x1xf32>
    %get3A_20 = arith.constant 0 : index
    %get3A_21 = arith.constant 0 : index
    %get3A_22 = vector.load %arg2[%get3A_20, %get3A_21] : memref<10000x128xf32, #tpu.memory_space<vmem>>, vector<10000x128xf32>
    %broadcast_in_dim3A_23 = vector.shape_cast %gt3A_19 : vector<10000x1xi1> to vector<10000x1xi1>
    %broadcast_in_dim3A_24 = vector.broadcast %broadcast_in_dim3A_23 : vector<10000x1xi1> to vector<10000x128xi1>
    %select_n3A = arith.select %broadcast_in_dim3A_24, %div3A_17, %get3A_22 : vector<10000x128xi1>, vector<10000x128xf32>
    %max3A_25 = arith.constant 0.000000e+00 : f32
    %max3A_26 = vector.broadcast %max3A_25 : f32 to vector<10000x128xf32>
    %max3A_27 = arith.maximumf %select_n3A, %max3A_26 : vector<10000x128xf32>
    %get3A_28 = arith.constant 0 : index
    %get3A_29 = arith.constant 0 : index
    %get3A_30 = vector.load %arg3[%get3A_28, %get3A_29] : memref<48x128xf32, #tpu.memory_space<vmem>>, vector<48x128xf32>
    %dot_general3A = arith.constant dense<0.000000e+00> : vector<10000x48xf32>
    %dot_general3A_31 = tpu.matmul %max3A_27, %get3A_30, %dot_general3A {dimension_numbers = #tpu.dot_dimension_numbers<[1], [1], [0], [0], [0, 0, 1, 0], [], []>, transpose_lhs_hint = false} : vector<10000x128xf32>, vector<48x128xf32>, vector<10000x48xf32> -> vector<10000x48xf32>
    %get3A_32 = arith.constant 0 : index
    %get3A_33 = arith.constant 0 : index
    %get3A_34 = vector.load %arg4[%get3A_32, %get3A_33] : memref<1x48xf32, #tpu.memory_space<vmem>>, vector<1x48xf32>
    %add3A_35 = vector.broadcast %get3A_34 : vector<1x48xf32> to vector<10000x48xf32>
    %add3A_36 = arith.addf %dot_general3A_31, %add3A_35 : vector<10000x48xf32>
    %swap3A = arith.constant 0 : index
    %swap3A_37 = arith.constant 0 : index
    %swap3A_38 = vector.load %arg5[%swap3A, %swap3A_37] : memref<10000x48xf32, #tpu.memory_space<vmem>>, vector<10000x48xf32>
    tpu.vector_store %arg5[%swap3A, %swap3A_37], %add3A_36 {strides = array<i32>} : memref<10000x48xf32, #tpu.memory_space<vmem>>, vector<10000x48xf32>,
    return
  }
}

module attributes {stable_mosaic.version = 14 : i64} {
  func.func @_combine_lsm_body(%arg0: memref<2x10240x48xf32, #tpu.memory_space<vmem>>, %arg1: memref<2x10240x16xf32, #tpu.memory_space<vmem>>, %arg2: memref<10000x48xf32, #tpu.memory_space<vmem>>, %arg3: memref<10000x40xf32, #tpu.memory_space<vmem>>) attributes {dimension_semantics = [], scalar_prefetch = 0 : i64, scratch_operands = 0 : i64, tpu.core_type = #tpu.core_type<tc>} {
    %get3A = arith.constant 0 : index
    %get3A_0 = arith.constant 0 : index
    %get3A_1 = arith.constant 0 : index
    %get3A_2 = vector.load %arg0[%get3A, %get3A_0, %get3A_1] : memref<2x10240x48xf32, #tpu.memory_space<vmem>>, vector<2x10240x48xf32>
    %get3A_3 = arith.constant 0 : index
    %get3A_4 = arith.constant 0 : index
    %get3A_5 = arith.constant 0 : index
    %get3A_6 = vector.load %arg1[%get3A_3, %get3A_4, %get3A_5] : memref<2x10240x16xf32, #tpu.memory_space<vmem>>, vector<2x10240x16xf32>
    %slice3A = vector.extract_strided_slice %get3A_2 {offsets = [0, 0, 0], sizes = [1, 10000, 48], strides = [1, 1, 1]} : vector<2x10240x48xf32> to vector<1x10000x48xf32>
    %squeeze3A = vector.shape_cast %slice3A : vector<1x10000x48xf32> to vector<10000x48xf32>
    %slice3A_7 = vector.extract_strided_slice %get3A_2 {offsets = [1, 0, 0], sizes = [1, 10000, 48], strides = [1, 1, 1]} : vector<2x10240x48xf32> to vector<1x10000x48xf32>
    %squeeze3A_8 = vector.shape_cast %slice3A_7 : vector<1x10000x48xf32> to vector<10000x48xf32>
    %add3A = arith.addf %squeeze3A, %squeeze3A_8 : vector<10000x48xf32>
    %slice3A_9 = vector.extract_strided_slice %get3A_6 {offsets = [0, 0, 0], sizes = [1, 10000, 16], strides = [1, 1, 1]} : vector<2x10240x16xf32> to vector<1x10000x16xf32>
    %squeeze3A_10 = vector.shape_cast %slice3A_9 : vector<1x10000x16xf32> to vector<10000x16xf32>
    %slice3A_11 = vector.extract_strided_slice %get3A_6 {offsets = [1, 0, 0], sizes = [1, 10000, 16], strides = [1, 1, 1]} : vector<2x10240x16xf32> to vector<1x10000x16xf32>
    %squeeze3A_12 = vector.shape_cast %slice3A_11 : vector<1x10000x16xf32> to vector<10000x16xf32>
    %add3A_13 = arith.addf %squeeze3A_10, %squeeze3A_12 : vector<10000x16xf32>
    %reduce_max3A = arith.constant dense<0xFF800000> : vector<10000xf32>
    %reduce_max3A_14 = vector.multi_reduction <maximumf>, %add3A_13, %reduce_max3A [1] : vector<10000x16xf32> to vector<10000xf32>
    %broadcast_in_dim3A = vector.shape_cast %reduce_max3A_14 : vector<10000xf32> to vector<10000x1xf32>
    %max3A = arith.constant 1.000000e+00 : f32
    %max3A_15 = vector.broadcast %max3A : f32 to vector<10000x1xf32>
    %max3A_16 = arith.maximumf %broadcast_in_dim3A, %max3A_15 : vector<10000x1xf32>
    %div3A = vector.broadcast %max3A_16 : vector<10000x1xf32> to vector<10000x48xf32>
    %div3A_17 = arith.divf %add3A, %div3A : vector<10000x48xf32>
    %gt3A = arith.constant 0.000000e+00 : f32
    %gt3A_18 = vector.broadcast %gt3A : f32 to vector<10000x1xf32>
    %gt3A_19 = arith.cmpf ogt, %broadcast_in_dim3A, %gt3A_18 : vector<10000x1xf32>
    %get3A_20 = arith.constant 0 : index
    %get3A_21 = arith.constant 0 : index
    %get3A_22 = vector.load %arg2[%get3A_20, %get3A_21] : memref<10000x48xf32, #tpu.memory_space<vmem>>, vector<10000x48xf32>
    %broadcast_in_dim3A_23 = vector.shape_cast %gt3A_19 : vector<10000x1xi1> to vector<10000x1xi1>
    %broadcast_in_dim3A_24 = vector.broadcast %broadcast_in_dim3A_23 : vector<10000x1xi1> to vector<10000x48xi1>
    %select_n3A = arith.select %broadcast_in_dim3A_24, %div3A_17, %get3A_22 : vector<10000x48xi1>, vector<10000x48xf32>
    %iota3A = tpu.iota {dimensions = array<i32: 1>} : vector<10000x48xi32>
    %lt3A = arith.constant 40 : i32
    %lt3A_25 = vector.broadcast %lt3A : i32 to vector<10000x48xi32>
    %lt3A_26 = arith.cmpi slt, %iota3A, %lt3A_25 : vector<10000x48xi32>
    %jit3A = arith.constant 0xFF800000 : f32
    %broadcast_in_dim3A_27 = vector.broadcast %jit3A : f32 to vector<10000x48xf32>
    %select_n3A_28 = arith.select %lt3A_26, %select_n3A, %broadcast_in_dim3A_27 : vector<10000x48xi1>, vector<10000x48xf32>
    %reduce_max3A_29 = arith.constant dense<0xFF800000> : vector<10000xf32>
    %reduce_max3A_30 = vector.multi_reduction <maximumf>, %select_n3A_28, %reduce_max3A_29 [1] : vector<10000x48xf32> to vector<10000xf32>
    %broadcast_in_dim3A_31 = vector.shape_cast %reduce_max3A_30 : vector<10000xf32> to vector<10000x1xf32>
    %sub3A = vector.broadcast %broadcast_in_dim3A_31 : vector<10000x1xf32> to vector<10000x48xf32>
    %sub3A_32 = arith.subf %select_n3A, %sub3A : vector<10000x48xf32>
    %exp3A = math.exp %sub3A_32 : vector<10000x48xf32>
    %jit3A_33 = arith.constant 0.000000e+00 : f32
    %broadcast_in_dim3A_34 = vector.broadcast %jit3A_33 : f32 to vector<10000x48xf32>
    %select_n3A_35 = arith.select %lt3A_26, %exp3A, %broadcast_in_dim3A_34 : vector<10000x48xi1>, vector<10000x48xf32>
    %reduce_sum3A = arith.constant dense<0.000000e+00> : vector<10000xf32>
    %reduce_sum3A_36 = vector.multi_reduction <add>, %select_n3A_35, %reduce_sum3A [1] : vector<10000x48xf32> to vector<10000xf32>
    %broadcast_in_dim3A_37 = vector.shape_cast %reduce_sum3A_36 : vector<10000xf32> to vector<10000x1xf32>
    %log3A = math.log %broadcast_in_dim3A_37 : vector<10000x1xf32>
    %add3A_38 = arith.addf %log3A, %broadcast_in_dim3A_31 : vector<10000x1xf32>
    %sub3A_39 = vector.broadcast %add3A_38 : vector<10000x1xf32> to vector<10000x48xf32>
    %sub3A_40 = arith.subf %select_n3A, %sub3A_39 : vector<10000x48xf32>
    %slice3A_41 = vector.extract_strided_slice %sub3A_40 {offsets = [0, 0], sizes = [10000, 40], strides = [1, 1]} : vector<10000x48xf32> to vector<10000x40xf32>
    %swap3A = arith.constant 0 : index
    %swap3A_42 = arith.constant 0 : index
    %swap3A_43 = vector.load %arg3[%swap3A, %swap3A_42] : memref<10000x40xf32, #tpu.memory_space<vmem>>, vector<10000x40xf32>
    tpu.vector_store %arg3[%swap3A, %swap3A_42], %slice3A_41 {strides = array<i32>} : memref<10000x40xf32, #tpu.memory_space<vmem>>, vector<10000x40xf32>,
    return
  }
}

</mosaic_0001>

<sc_bundles>
// kernel: kernel.12.cloned.1.call-start
scs
__scs_entry_jumppad:
0x0: {  	(pc) =	sbr.rel $0x88, $3  }
0x1: {  	(tag) =	ssettag $0x0;
	lr =	simm.s32 $0x1  }
0x2: {  	[smem:$0x3F99] =	sst lr;
	_ =	strace $0xD0000000  }
0x3: {  	_ = 	snop  }
0x4: {  	_ = 	snop  }
0x5: {  	_ = 	snop  }
0x6: {  	_ = 	snop  }
0x7: {  	_ = 	snop  }
__scs_overlays_trampoline_lowered:
0x8: {  	[smem:$0x3FA8] =	sst s0  }
0x9: {  	[smem:$0x3FA9] =	sst s1  }
0xa: {  	[smem:$0x3FAA] =	sst s2  }
0xb: {  	[smem:$0x3FAB] =	sst s3  }
0xc: {  	[smem:$0x3FAC] =	sst s4  }
0xd: {  	[smem:$0x3FAD] =	sst s5  }
0xe: {  	[smem:$0x3FAE] =	sst s6  }
0xf: {  	[smem:$0x3FAF] =	sst s7  }
0x10: {  	[smem:$0x3FB0] =	sst s8  }
0x11: {  	[smem:$0x3FB1] =	sst s9;
	s0 =	simm.s32 @!p0 $0x0  }
0x12: {  	s1 =	sld [smem:$0x3F97];
	s0 =	simm.s32 @p0 $0x1  }
0x13: {  	[smem:$0x3FB2] =	sst s0;
	s0 =	simm.s32 @!p1 $0x0  }
0x14: {  	s2 =	sld [smem:$0x3F96];
	s0 =	simm.s32 @p1 $0x1  }
0x15: {  	[smem:$0x3FB3] =	sst s0;
	s0 =	simm.s32 @!p2 $0x0  }
0x16: {  	s3 =	sld [smem:$0x3FDB];
	s0 =	simm.s32 @p2 $0x1  }
0x17: {  	s4 =	simm.s32 $0x1BF5;
	[smem:$0x3FB5] =	sst s0  }
0x18: {  	s0 =	sld [smem:$0x3F98];
	_ =	swait.ge [sflag:s4], $0x0  }
0x19: {  	s7 =	sld [smem:$0x3F99]  }
0x1a: {  	s8 =	sadd.s32 $0xFFFFE003, lr  }
0x1b: {  	s9 =	sadd.s32 $0xFFFFFEF7, lr;
	s5 =	simm.s32 $0xFFFFFFFF;
	p2 =	slt.u32 s8, $0xFFFFF086  }
0x1c: {  	p1 =	slt.u32 s9, $0xF7A;
	s5 =	simm.s32 @!p2 $0x0  }
0x1d: {  	s5 =	simm.s32 @p1 $0x1;
	p0 =	seq.s32 s7, s2  }
0x1e: {  	s7 =	smul.u32 @!p0 $0xF7A, s2;
	p2 =	seq.s32 @!p0 s5, $0x0  }
0x1f: {  	s9 =	smul.u32 $0xF7A, s1;
	s8 =	simm.s32 @!p0 $0x1BF5;
	p2 =	por !p2, p0  }
0x20: {  	[sflag:s8] =	ssyncset.s32 @!p0 $0xFFFFF086;
	s6 =	sadd.s32 @!p0 s3, s7;
	s7 =	simm.s32 @!p0 $0x108  }
0x21: {  	s3 =	sadd.s32 s3, s9;
	s6 =	sadd.s32 @!p0 $0x88, s6;
	s7 =	simm.s32 @p2 $0x1082  }
0x22: {  	[simem:s7], [sflag:s8] =	dma.local @!p0 [hbm:s6], $0xF7A  }
0x23: {  	s9 =	sor.u32 $0xD0000000, s2;
	s6 =	simm.s32 $0x108;
	_ =	swait.ge @!p0 [sflag:s8], $0x0  }
0x24: {  	s3 =	sadd.s32 $0x88, s3;
	s6 =	simm.s32 @!p1 $0x1082;
	[sflag:s4] =	ssyncset.s32 $0xFFFFF086  }
0x25: {  	[simem:s6], [sflag:s4] =	dma.local [hbm:s3], $0xF7A  }
0x26: {  	[smem:$0x3F99] =	sst s1;
	(tag) =	ssettag s2;
	_ =	strace s9  }
0x27: {  	s1 =	sld [smem:$0x3FA9]  }
0x28: {  	s2 =	sld [smem:$0x3FAA]  }
0x29: {  	s4 =	sld [smem:$0x3FAC]  }
0x2a: {  	p0 =	seq.s32 s5, $0x0;
	s5 =	sld [smem:$0x3FAD]  }
0x2b: {  	s6 =	sld [smem:$0x3FAE]  }
0x2c: {  	s7 =	sld [smem:$0x3FAF]  }
0x2d: {  	s3 =	simm.s32 $0x108;
	s8 =	sld [smem:$0x3FB0]  }
0x2e: {  	s3 =	simm.s32 @!p0 $0x1082;
	s9 =	sld [smem:$0x3FB1]  }
0x2f: {  	lr =	sadd.s32 s0, s3;
	s0 =	sld [smem:$0x3FA8]  }
0x30: {  	s3 =	sld [smem:$0x3FAB]  }
0x31: {  	[smem:$0x3FB4] =	sst s10  }
0x32: {  	s10 =	sld [smem:$0x3FB2];
	_ =	sdelay $0x3  }
0x33: {  	p0 =	seq.s32 s10, $0x1;
	s10 =	sld [smem:$0x3FB4];
	_ =	sdelay $0x3  }
0x34: {  	[smem:$0x3FB4] =	sst s10  }
0x35: {  	s10 =	sld [smem:$0x3FB3];
	_ =	sdelay $0x3  }
0x36: {  	p1 =	seq.s32 s10, $0x1;
	s10 =	sld [smem:$0x3FB4];
	_ =	sdelay $0x3  }
0x37: {  	[smem:$0x3FB4] =	sst s10  }
0x38: {  	s10 =	sld [smem:$0x3FB5]  }
0x39: {  	_ = 	snop;
	(pc) =	sbr.ind lr, $3  }
0x3a: {  	_ = 	snop  }
0x3b: {  	_ = 	snop  }
0x3c: {  	p2 =	seq.s32 s10, $0x1;
	s10 =	sld [smem:$0x3FB4]  }
0x3d: {  	_ =	shalt  }
0x3e: {  	_ =	shalt  }
0x3f: {  	_ =	shalt  }
0x40: {  	_ =	shalt  }
0x41: {  	_ =	shalt  }
0x42: {  	_ =	shalt  }
0x43: {  	_ =	shalt  }
0x44: {  	_ =	shalt  }
0x45: {  	_ =	shalt  }
0x46: {  	_ =	shalt  }
0x47: {  	_ =	shalt  }
0x48: {  	_ =	shalt  }
0x49: {  	_ =	shalt  }
0x4a: {  	_ =	shalt  }
0x4b: {  	_ =	shalt  }
0x4c: {  	_ =	shalt  }
0x4d: {  	_ =	shalt  }
0x4e: {  	_ =	shalt  }
0x4f: {  	_ =	shalt  }
0x50: {  	_ =	shalt  }
0x51: {  	_ =	shalt  }
0x52: {  	_ =	shalt  }
0x53: {  	_ =	shalt  }
0x54: {  	_ =	shalt  }
0x55: {  	_ =	shalt  }
0x56: {  	_ =	shalt  }
0x57: {  	_ =	shalt  }
0x58: {  	_ =	shalt  }
0x59: {  	_ =	shalt  }
0x5a: {  	_ =	shalt  }
0x5b: {  	_ =	shalt  }
0x5c: {  	_ =	shalt  }
0x5d: {  	_ =	shalt  }
0x5e: {  	_ =	shalt  }
0x5f: {  	_ =	shalt  }
0x60: {  	_ =	shalt  }
0x61: {  	_ =	shalt  }
0x62: {  	_ =	shalt  }
0x63: {  	_ =	shalt  }
0x64: {  	_ =	shalt  }
0x65: {  	_ =	shalt  }
0x66: {  	_ =	shalt  }
0x67: {  	_ =	shalt  }
0x68: {  	_ =	shalt  }
0x69: {  	_ =	shalt  }
0x6a: {  	_ =	shalt  }
0x6b: {  	_ =	shalt  }
0x6c: {  	_ =	shalt  }
0x6d: {  	_ =	shalt  }
0x6e: {  	_ =	shalt  }
0x6f: {  	_ =	shalt  }
0x70: {  	_ =	shalt  }
0x71: {  	_ =	shalt  }
0x72: {  	_ =	shalt  }
0x73: {  	_ =	shalt  }
0x74: {  	_ =	shalt  }
0x75: {  	_ =	shalt  }
0x76: {  	_ =	shalt  }
0x77: {  	_ =	shalt  }
0x78: {  	_ =	shalt  }
0x79: {  	_ =	shalt  }
0x7a: {  	_ =	shalt  }
0x7b: {  	_ =	shalt  }
0x7c: {  	_ =	shalt  }
0x7d: {  	_ =	shalt  }
0x7e: {  	_ =	shalt  }
0x7f: {  	_ =	shalt  }
0x80: {  	_ =	shalt  }
0x81: {  	_ =	shalt  }
0x82: {  	_ =	shalt  }
0x83: {  	_ =	shalt  }
0x84: {  	_ =	shalt  }
0x85: {  	_ =	shalt  }
0x86: {  	_ =	shalt  }
0x87: {  	_ =	shalt  }
.Lfunc_end0:
.L_simem_size_0:
called_computation.1_lowered:
.L_overlay_start_0:
0x88: {  	s2 =	sld [smem:$0x3FD9]  }
0x89: {  	s3 =	sld [smem:$0x3FFE];
	_ =	sdelay $0x1  }
0x8a: {  	s1 =	srdreg.scid  }
0x8b: {  	s0 =	sand.u32 $0x1, s1  }
0x8c: {  	s16 =	sshll.u32 s0, $0xA;
	s2 =	sadd.s32 s3, s2  }
0x8d: {  	s2 =	sadd.s32 s2, s16  }
0x8e: {  	[smem:$0x3FC0] =	sst s2  }
0x8f: {  	_ = 	snop  }
0x90: {  	(tm) =	ssettm $0x1  }
0x91: {  	s17 =	sld [smem:$0x3FFB];
	_ =	sdelay $0x3  }
0x92: {  	_ =	strace s17  }
0x93: {  	s2 =	sld [smem:$0x3FFC];
	_ =	sdelay $0x3  }
0x94: {  	_ =	strace s2  }
0x95: {  	s2 =	sld [smem:$0x3FFD];
	_ =	sdelay $0x3  }
0x96: {  	_ =	strace s2  }
0x97: {  	_ =	strace $0x8FFFFFFF  }
0x98: {  	s18 =	sld [smem:$0x3FDB];
	_ =	sdelay $0x1  }
0x99: {  	s19 =	simm.s32 $_scs_section_size  }
0x9a: {  	s4 =	simm.s32 $_size__tile_overlayer_lowered;
	s5 =	simm.s32 $_tile_overlayer_lowered  }
0x9b: {  	s22 =	simm.s32 $0x1BFF;
	s21 =	sshll.u32 s5, $0x1;
	s2 =	sadd.s32 s19, s18  }
0x9c: {  	s6 =	simm.s32 $0x0;
	s20 =	sshll.u32 s4, $0x1;
	s4 =	sadd.s32 s21, s2  }
0x9d: {  	[timem:s6], [sflag:s22] =	dma.local [hbm:s4], s20  }
0x9e: {  	_ =	swait.ge [sflag:s22], s20  }
0x9f: {  	s3 =	ssub.s32 $0x0, s20;
	[sflag:s22] =	ssyncset.done $0x0  }
0xa0: {  	[sflag:s22] =	ssyncadd.s32 s3;
	_ =	sdelay $0x1  }
0xa1: {  	s23 =	simm.s32 $0x1B8B  }
0xa2: {  	_ =	swait.ge [sflag:s23], $0x1  }
0xa3: {  	[sflag:s23] =	ssyncset.done $0x0  }
0xa4: {  	s25 =	simm.s32 $0x1B8E;
	s24 =	sld [smem:$0x3FFE];
	[sflag:s23] =	ssyncadd.s32 $0xFFFFFFFF  }
0xa5: {  	s26 =	simm.s32 $execute0_lowered;
	[smem:$0x3FD2] =	sst s25  }
0xa6: {  	s4 =	sshll.u32 s26, $0x1;
	_ =	strace $0x80000049;
	[dreg:$0x1] =	wrdreg $0xFFFFFFFF  }
0xa7: {  	s28 =	simm.s32 $_size_execute0_lowered;
	s2 =	sadd.s32 s2, s4;
	[dreg:$0x0] =	wrdreg $0x0  }
0xa8: {  	s4 =	sshll.u32 s28, $0x1;
	[dreg:$0x2] =	wrdreg s2  }
0xa9: {  	[dreg:$0x3] =	wrdreg s4  }
0xaa: {  	[dreg:$0x4] =	wrdreg $0xC0  }
0xab: {  	_ =	task [dreg:s6], $0x5FFFF  }
0xac: {  	[dreg:$0x1] =	wrdreg $0xFFFFFFFF  }
0xad: {  	[dreg:$0x0] =	wrdreg $0x60  }
0xae: {  	[dreg:$0x2] =	wrdreg s24  }
0xaf: {  	[dreg:$0x3] =	wrdreg $0x0  }
0xb0: {  	[dreg:$0x4] =	wrdreg $0x9  }
0xb1: {  	_ =	task.clear_ibuf [dreg:s6], $0x5FFFF;
	_ =	strace $0x90000049  }
0xb2: {  	s29 =	simm.s32 $0x9;
	_ =	strace $0x8000004B  }
0xb3: {  	_ =	swait.ge [sflag:s29], $0x1  }
0xb4: {  	[sflag:s29] =	ssyncadd.s32 $0xFFFFFFFF  }
0xb5: {  	_ =	strace $0x9000004B  }
0xb6: {  	_ =	sfence  }
0xb7: {  	s30 =	sld [smem:$0x0];
	_ =	sdelay $0x2  }
0xb8: {  	s31 =	sshll.u32 s1, $0xD;
	s1 =	sshrl.u32 s1, $0x2  }
0xb9: {  	s3 =	sand.u32 $0x4000, s31;
	s1 =	sadd.s32 s1, s30  }
0xba: {  	s0 =	sor.u32 s3, s0;
	s1 =	sshll.u32 s1, $0x11  }
0xbb: {  	s0 =	sor.u32 s1, s0  }
0xbc: {  	s0 =	sadd.s32 $0x8F2B, s0  }
0xbd: {  	[sflag:s0] =	ssyncadd.remote.s32 $0x1  }
0xbe: {  	_ =	sfence.sel $0xFFFF  }
0xbf: {  	[dreg:$0x0] =	wrdreg $0xFFFFFFFF;
	(pc) =	sbr.abs _section_cstart, $3  }
0xc0: {  	[dreg:$0x1] =	wrdreg $0xFFFFFFFF  }
0xc1: {  	_ =	task.clear_ibuf [dreg:s6], $0x2FFFF;
	_ =	strace $0x9FFFFFFF  }
0xc2: {  	(tm) =	ssettm $0x7FFFFFFF  }
0xc3: {  	_ =	shalt  }
tec
execute0_lowered:
.L_overlay_start_1:
0x0: {  	(tag) =	ssettag $0x1  }
0x1: {  	s5 =	rddreg [dreg:$0x0]  }
0x2: {  	s2 =	rddreg [dreg:$0x1]  }
0x3: {  	s0 =	srdreg.scid;
	s1 =	rddreg [dreg:$0x2];
	s3 =	simm.s32 $0x0  }
0x4: {  	s13 =	simm.s32 $0x14000;
	s14 =	simm.s32 $0x14050;
	s6 =	sand.u32 $0x1, s0  }
0x5: {  	s15 =	simm.s32 $0x50;
	s0 =	stileid.u32;
	s4 =	smul.u32 $0x27100, s6  }
0x6: {  	s16 =	simm.s32 $0x140A0;
	s17 =	simm.s32 $0x1;
	s7 =	smul.u32 $0x2710, s0  }
0x7: {  	s18 =	simm.s32 $0x0;
	[smem:$0x7FF] =	sst s3;
	s29 =	smul.u32 $0x14000, s0  }
0x8: {  	s9 =	smul.u32 $0x140000, s6;
	_ =	strace $0x8000004A;
	s6 =	ssub.s32 $0x2, s6  }
0x9: {  	s31 =	sshll.u32 s0, $0x6;
	s11 =	sshrl.u32 s6, $0x1;
	s4 =	sadd.s32 s7, s4  }
0xa: {  	s30 =	sshrl.u32 s29, $0x3;
	s9 =	sadd.s32 s29, s9;
	s11 =	ssub.s32 s6, s11  }
0xb: {  	s12 =	sadd.s32 s29, s2;
	s6 =	sor.u32 $0x1C02, s31;
	s8 =	sshrl.u32 s4, $0x3  }
0xc: {  	s9 =	sshrl.u32 s9, $0x3;
	s10 =	sadd.s32 s8, s5;
	s8 =	sadd.s32 s30, s5  }
0xd: {  	s4 =	sadd.s32 $0x16400, s5;
	s9 =	sadd.s32 s9, s5;
	s5 =	sadd.s32 $0x3D600, s8  }
0xe: {  	s7 =	sadd.s32 $0x65600, s9;
	s8 =	smax.u32 s11, $0x1;
	s9 =	sadd.s32 $0x2800, s10  }
0xf: {  	s10 =	sadd.s32 $0xC600, s10;
	s11 =	sshrl.u32 s12, $0x3;
	s12 =	simm.s32 $0x2  }
.LBB2_1:
0x10: {  	[spmem:s11], [sflag:s6] =	dma.local [hbm:s5], $0x2800  }
0x11: {  	_ =	swait.ge [sflag:s12], $0x2800  }
0x12: {  	[sflag:s12] =	ssyncset.done $0x0  }
0x13: {  	[sflag:s12] =	ssyncadd.s32 $0xFFFFD800  }
0x14: {  	s19 =	sadd.s32 $0x0, s10;
	[bflag:$0x0] =	sbarrier.arrive $0xFFFF  }
0x15: {  	[tilespmem:s13], [sflag:$0x2] =	stream.linear.gather [hbm4b:s19+s3], $0x50, $0x38;
	[tilespmem:$0x168A0] =	vst v63  }
0x16: {  	_ =	swait.ge [sflag:s12], $0x50  }
0x17: {  	[sflag:s12] =	ssyncset.done $0x0  }
0x18: {  	s31 =	sadd.s32 $0x0, s9;
	[sflag:s12] =	ssyncadd.s32 $0xFFFFFFB0  }
0x19: {  	[tilespmem:s14], [sflag:$0x2] =	stream.linear.gather [hbm4b:s31+s3], $0x50, $0x38;
	[tilespmem:$0x168A0] =	vst v63  }
0x1a: {  	_ =	swait.ge [sflag:s12], $0x50  }
0x1b: {  	[sflag:s12] =	ssyncset.done $0x0  }
0x1c: {  	[sflag:s12] =	ssyncadd.s32 $0xFFFFFFB0  }
0x1d: {  	[tilespmem:s16], [sflag:$0x1] =	stream.indirect.gather [hbm4b:s4+s15], $0x80, s13, s15, $0xb8;
	[tilespmem:$0x168A0] =	vst v63  }
0x1e: {  	_ =	swait.ge [sflag:s17], $0x2800  }
0x1f: {  	[sflag:s17] =	ssyncset.done $0x0  }
0x20: {  	[sflag:s17] =	ssyncadd.s32 $0xFFFFD800  }
0x21: {  	[spmem:s2] =	stream.indirect.scatter.add.f32 [tilespmem:s16], [sflag:$0x2], $0x80, s14, s15, $0xb8;
	[tilespmem:$0x168A0] =	vst v63  }
0x22: {  	_ =	swait.ge [sflag:s12], $0x2800  }
0x23: {  	s20 =	simm.s32 $0x14;
	s19 =	simm.s32 $0xA;
	[sflag:s12] =	ssyncset.done $0x0  }
.LBB2_2:
0x24: {  	s21 =	sadd.s32 s19, s10  }
0x25: {  	[sflag:s12] =	ssyncadd.s32 $0xFFFFD800;
	s22 =	smov.u32 s20;
	s23 =	sadd.s32 $0xA, s20  }
0x26: {  	[tilespmem:s13], [sflag:$0x2] =	stream.linear.gather [hbm4b:s21+s3], $0x50, $0x38;
	[tilespmem:$0x168A0] =	vst v63  }
0x27: {  	p0 =	sne.s32 s20, $0x4D8;
	_ =	swait.ge [sflag:s12], $0x50  }
0x28: {  	[sflag:s12] =	ssyncset.done $0x0  }
0x29: {  	s20 =	sadd.s32 s19, s9;
	s19 =	smov.u32 s22;
	[sflag:s12] =	ssyncadd.s32 $0xFFFFFFB0  }
0x2a: {  	[tilespmem:s14], [sflag:$0x2] =	stream.linear.gather [hbm4b:s20+s3], $0x50, $0x38;
	[tilespmem:$0x168A0] =	vst v63  }
0x2b: {  	_ =	swait.ge [sflag:s12], $0x50  }
0x2c: {  	[sflag:s12] =	ssyncset.done $0x0  }
0x2d: {  	[sflag:s12] =	ssyncadd.s32 $0xFFFFFFB0  }
0x2e: {  	[tilespmem:s16], [sflag:$0x1] =	stream.indirect.gather [hbm4b:s4+s15], $0x80, s13, s15, $0xb8;
	[tilespmem:$0x168A0] =	vst v63  }
0x2f: {  	_ =	swait.ge [sflag:s17], $0x2800  }
.Ltmp0:
0x30: {  	[sflag:s17] =	ssyncset.done $0x0;
	(pc) =	sbr.rel @p0 .LBB2_2-.Ltmp0, $4  }
0x31: {  	[sflag:s17] =	ssyncadd.s32 $0xFFFFD800  }
0x32: {  	[spmem:s2] =	stream.indirect.scatter.add.f32 [tilespmem:s16], [sflag:$0x2], $0x80, s14, s15, $0xb8;
	[tilespmem:$0x168A0] =	vst v63  }
0x33: {  	_ =	swait.ge [sflag:s12], $0x2800  }
0x34: {  	s20 =	smov.u32 s23;
	[sflag:s12] =	ssyncset.done $0x0  }
0x35: {  	s20 =	sadd.s32 s19, s10;
	[sflag:s12] =	ssyncadd.s32 $0xFFFFD800  }
0x36: {  	[tilespmem:s13], [sflag:$0x2] =	stream.linear.gather [hbm4b:s20+s3], $0x50, $0x38;
	[tilespmem:$0x168A0] =	vst v63  }
0x37: {  	_ =	swait.ge [sflag:s12], $0x50  }
0x38: {  	[sflag:s12] =	ssyncset.done $0x0  }
0x39: {  	s31 =	sadd.s32 s19, s9;
	[sflag:s12] =	ssyncadd.s32 $0xFFFFFFB0  }
0x3a: {  	[tilespmem:s14], [sflag:$0x2] =	stream.linear.gather [hbm4b:s31+s3], $0x50, $0x38;
	[tilespmem:$0x168A0] =	vst v63  }
0x3b: {  	_ =	swait.ge [sflag:s12], $0x50  }
0x3c: {  	[sflag:s12] =	ssyncset.done $0x0  }
0x3d: {  	[sflag:s12] =	ssyncadd.s32 $0xFFFFFFB0  }
0x3e: {  	[tilespmem:s16], [sflag:$0x1] =	stream.indirect.gather [hbm4b:s4+s15], $0x80, s13, s15, $0xb8;
	[tilespmem:$0x168A0] =	vst v63  }
0x3f: {  	_ =	swait.ge [sflag:s17], $0x2800  }
0x40: {  	[sflag:s17] =	ssyncset.done $0x0  }
0x41: {  	[sflag:s17] =	ssyncadd.s32 $0xFFFFD800  }
0x42: {  	[spmem:s2] =	stream.indirect.scatter.add.f32 [tilespmem:s16], [sflag:$0x2], $0x80, s14, s15, $0xb8;
	[tilespmem:$0x168A0] =	vst v63  }
0x43: {  	_ =	swait.ge [sflag:s12], $0x2800  }
0x44: {  	s18 =	sadd.s32 $0x1, s18;
	[sflag:s12] =	ssyncset.done $0x0  }
0x45: {  	p0 =	sne.s32 s18, s8;
	[sflag:s12] =	ssyncadd.s32 $0xFFFFD800  }
.Ltmp1:
0x46: {  	[bflag:$0x0] =	sbarrier.arrive $0xFFFF;
	(pc) =	sbr.rel @p0 .LBB2_1-.Ltmp1, $4  }
0x47: {  	[hbm:s7], [sflag:s6] =	dma.local [spmem:s11], $0x2800  }
0x48: {  	_ =	swait.ge [sflag:s12], $0x2800  }
0x49: {  	[sflag:s12] =	ssyncset.done $0x0  }
0x4a: {  	[sflag:s12] =	ssyncadd.s32 $0xFFFFD800  }
0x4b: {  	_ =	sfence.sel $0x180000  }
0x4c: {  	[bflag:$0x0] =	sbarrier.arrive $0xFFFF  }
0x4d: {  	p0 =	sne.s32 s0, $0x0;
	_ =	strace $0x9000004A  }
0x4e: {  	s0 =	sadd.s32 @!p0 $0x100000, s1;
	[bflag:$0x2] =	sbarrier.arrive $0xFFFF  }
0x4f: {  	[sflag:s0] =	ssyncadd.tile.s32 @!p0 $0x1;
	_ =	shalt  }
.Lfunc_end2:
_tile_overlayer_lowered:
.L_overlay_start_2:
0x50: {  	(tag) =	ssettag $0x2  }
0x51: {  	s0 =	rddreg [dreg:$0x0];
	s2 =	stileid.u32  }
0x52: {  	s1 =	rddreg [dreg:$0x1];
	p0 =	sne.s32 s2, $0x0  }
0x53: {  	s3 =	rddreg [dreg:$0x2];
	[bflag:$0x3] =	sbarrier.arrive $0xFFFF;
	s2 =	simm.s32 @!p0 $0x1C02  }
0x54: {  	[timem:s3], [sflag:s2] =	dma.local @!p0 [hbm:s0], s1  }
0x55: {  	s0 =	simm.s32 @!p0 $0x2  }
0x56: {  	_ =	swait.ge @!p0 [sflag:s0], s1  }
0x57: {  	s1 =	ssub.s32 @!p0 $0x0, s1;
	[sflag:s0] =	ssyncset.done @!p0 $0x0  }
0x58: {  	[sflag:s0] =	ssyncadd.s32 @!p0 s1  }
0x59: {  	[bflag:$0x3] =	sbarrier.arrive $0xFFFF  }
0x5a: {  	_ =	shalt  }

// kernel: kernel.15.cloned.1.call-start
scs
__scs_entry_jumppad:
0x0: {  	(pc) =	sbr.rel $0x88, $3  }
0x1: {  	(tag) =	ssettag $0x0;
	lr =	simm.s32 $0x1  }
0x2: {  	[smem:$0x3F99] =	sst lr;
	_ =	strace $0xD0000000  }
0x3: {  	_ = 	snop  }
0x4: {  	_ = 	snop  }
0x5: {  	_ = 	snop  }
0x6: {  	_ = 	snop  }
0x7: {  	_ = 	snop  }
__scs_overlays_trampoline_lowered:
0x8: {  	[smem:$0x3FA8] =	sst s0  }
0x9: {  	[smem:$0x3FA9] =	sst s1  }
0xa: {  	[smem:$0x3FAA] =	sst s2  }
0xb: {  	[smem:$0x3FAB] =	sst s3  }
0xc: {  	[smem:$0x3FAC] =	sst s4  }
0xd: {  	[smem:$0x3FAD] =	sst s5  }
0xe: {  	[smem:$0x3FAE] =	sst s6  }
0xf: {  	[smem:$0x3FAF] =	sst s7  }
0x10: {  	[smem:$0x3FB0] =	sst s8  }
0x11: {  	[smem:$0x3FB1] =	sst s9;
	s0 =	simm.s32 @!p0 $0x0  }
0x12: {  	s1 =	sld [smem:$0x3F97];
	s0 =	simm.s32 @p0 $0x1  }
0x13: {  	[smem:$0x3FB2] =	sst s0;
	s0 =	simm.s32 @!p1 $0x0  }
0x14: {  	s2 =	sld [smem:$0x3F96];
	s0 =	simm.s32 @p1 $0x1  }
0x15: {  	[smem:$0x3FB3] =	sst s0;
	s0 =	simm.s32 @!p2 $0x0  }
0x16: {  	s3 =	sld [smem:$0x3FDB];
	s0 =	simm.s32 @p2 $0x1  }
0x17: {  	s4 =	simm.s32 $0x1BF5;
	[smem:$0x3FB5] =	sst s0  }
0x18: {  	s0 =	sld [smem:$0x3F98];
	_ =	swait.ge [sflag:s4], $0x0  }
0x19: {  	s7 =	sld [smem:$0x3F99]  }
0x1a: {  	s8 =	sadd.s32 $0xFFFFE003, lr  }
0x1b: {  	s9 =	sadd.s32 $0xFFFFFEF7, lr;
	s5 =	simm.s32 $0xFFFFFFFF;
	p2 =	slt.u32 s8, $0xFFFFF086  }
0x1c: {  	p1 =	slt.u32 s9, $0xF7A;
	s5 =	simm.s32 @!p2 $0x0  }
0x1d: {  	s5 =	simm.s32 @p1 $0x1;
	p0 =	seq.s32 s7, s2  }
0x1e: {  	s7 =	smul.u32 @!p0 $0xF7A, s2;
	p2 =	seq.s32 @!p0 s5, $0x0  }
0x1f: {  	s9 =	smul.u32 $0xF7A, s1;
	s8 =	simm.s32 @!p0 $0x1BF5;
	p2 =	por !p2, p0  }
0x20: {  	[sflag:s8] =	ssyncset.s32 @!p0 $0xFFFFF086;
	s6 =	sadd.s32 @!p0 s3, s7;
	s7 =	simm.s32 @!p0 $0x108  }
0x21: {  	s3 =	sadd.s32 s3, s9;
	s6 =	sadd.s32 @!p0 $0x88, s6;
	s7 =	simm.s32 @p2 $0x1082  }
0x22: {  	[simem:s7], [sflag:s8] =	dma.local @!p0 [hbm:s6], $0xF7A  }
0x23: {  	s9 =	sor.u32 $0xD0000000, s2;
	s6 =	simm.s32 $0x108;
	_ =	swait.ge @!p0 [sflag:s8], $0x0  }
0x24: {  	s3 =	sadd.s32 $0x88, s3;
	s6 =	simm.s32 @!p1 $0x1082;
	[sflag:s4] =	ssyncset.s32 $0xFFFFF086  }
0x25: {  	[simem:s6], [sflag:s4] =	dma.local [hbm:s3], $0xF7A  }
0x26: {  	[smem:$0x3F99] =	sst s1;
	(tag) =	ssettag s2;
	_ =	strace s9  }
0x27: {  	s1 =	sld [smem:$0x3FA9]  }
0x28: {  	s2 =	sld [smem:$0x3FAA]  }
0x29: {  	s4 =	sld [smem:$0x3FAC]  }
0x2a: {  	p0 =	seq.s32 s5, $0x0;
	s5 =	sld [smem:$0x3FAD]  }
0x2b: {  	s6 =	sld [smem:$0x3FAE]  }
0x2c: {  	s7 =	sld [smem:$0x3FAF]  }
0x2d: {  	s3 =	simm.s32 $0x108;
	s8 =	sld [smem:$0x3FB0]  }
0x2e: {  	s3 =	simm.s32 @!p0 $0x1082;
	s9 =	sld [smem:$0x3FB1]  }
0x2f: {  	lr =	sadd.s32 s0, s3;
	s0 =	sld [smem:$0x3FA8]  }
0x30: {  	s3 =	sld [smem:$0x3FAB]  }
0x31: {  	[smem:$0x3FB4] =	sst s10  }
0x32: {  	s10 =	sld [smem:$0x3FB2];
	_ =	sdelay $0x3  }
0x33: {  	p0 =	seq.s32 s10, $0x1;
	s10 =	sld [smem:$0x3FB4];
	_ =	sdelay $0x3  }
0x34: {  	[smem:$0x3FB4] =	sst s10  }
0x35: {  	s10 =	sld [smem:$0x3FB3];
	_ =	sdelay $0x3  }
0x36: {  	p1 =	seq.s32 s10, $0x1;
	s10 =	sld [smem:$0x3FB4];
	_ =	sdelay $0x3  }
0x37: {  	[smem:$0x3FB4] =	sst s10  }
0x38: {  	s10 =	sld [smem:$0x3FB5]  }
0x39: {  	_ = 	snop;
	(pc) =	sbr.ind lr, $3  }
0x3a: {  	_ = 	snop  }
0x3b: {  	_ = 	snop  }
0x3c: {  	p2 =	seq.s32 s10, $0x1;
	s10 =	sld [smem:$0x3FB4]  }
0x3d: {  	_ =	shalt  }
0x3e: {  	_ =	shalt  }
0x3f: {  	_ =	shalt  }
0x40: {  	_ =	shalt  }
0x41: {  	_ =	shalt  }
0x42: {  	_ =	shalt  }
0x43: {  	_ =	shalt  }
0x44: {  	_ =	shalt  }
0x45: {  	_ =	shalt  }
0x46: {  	_ =	shalt  }
0x47: {  	_ =	shalt  }
0x48: {  	_ =	shalt  }
0x49: {  	_ =	shalt  }
0x4a: {  	_ =	shalt  }
0x4b: {  	_ =	shalt  }
0x4c: {  	_ =	shalt  }
0x4d: {  	_ =	shalt  }
0x4e: {  	_ =	shalt  }
0x4f: {  	_ =	shalt  }
0x50: {  	_ =	shalt  }
0x51: {  	_ =	shalt  }
0x52: {  	_ =	shalt  }
0x53: {  	_ =	shalt  }
0x54: {  	_ =	shalt  }
0x55: {  	_ =	shalt  }
0x56: {  	_ =	shalt  }
0x57: {  	_ =	shalt  }
0x58: {  	_ =	shalt  }
0x59: {  	_ =	shalt  }
0x5a: {  	_ =	shalt  }
0x5b: {  	_ =	shalt  }
0x5c: {  	_ =	shalt  }
0x5d: {  	_ =	shalt  }
0x5e: {  	_ =	shalt  }
0x5f: {  	_ =	shalt  }
0x60: {  	_ =	shalt  }
0x61: {  	_ =	shalt  }
0x62: {  	_ =	shalt  }
0x63: {  	_ =	shalt  }
0x64: {  	_ =	shalt  }
0x65: {  	_ =	shalt  }
0x66: {  	_ =	shalt  }
0x67: {  	_ =	shalt  }
0x68: {  	_ =	shalt  }
0x69: {  	_ =	shalt  }
0x6a: {  	_ =	shalt  }
0x6b: {  	_ =	shalt  }
0x6c: {  	_ =	shalt  }
0x6d: {  	_ =	shalt  }
0x6e: {  	_ =	shalt  }
0x6f: {  	_ =	shalt  }
0x70: {  	_ =	shalt  }
0x71: {  	_ =	shalt  }
0x72: {  	_ =	shalt  }
0x73: {  	_ =	shalt  }
0x74: {  	_ =	shalt  }
0x75: {  	_ =	shalt  }
0x76: {  	_ =	shalt  }
0x77: {  	_ =	shalt  }
0x78: {  	_ =	shalt  }
0x79: {  	_ =	shalt  }
0x7a: {  	_ =	shalt  }
0x7b: {  	_ =	shalt  }
0x7c: {  	_ =	shalt  }
0x7d: {  	_ =	shalt  }
0x7e: {  	_ =	shalt  }
0x7f: {  	_ =	shalt  }
0x80: {  	_ =	shalt  }
0x81: {  	_ =	shalt  }
0x82: {  	_ =	shalt  }
0x83: {  	_ =	shalt  }
0x84: {  	_ =	shalt  }
0x85: {  	_ =	shalt  }
0x86: {  	_ =	shalt  }
0x87: {  	_ =	shalt  }
.Lfunc_end0:
.L_simem_size_0:
called_computation.2_lowered:
.L_overlay_start_0:
0x88: {  	s2 =	sld [smem:$0x3FD9]  }
0x89: {  	s3 =	sld [smem:$0x3FFE];
	_ =	sdelay $0x1  }
0x8a: {  	s1 =	srdreg.scid  }
0x8b: {  	s0 =	sand.u32 $0x1, s1  }
0x8c: {  	s16 =	sshll.u32 s0, $0xA;
	s2 =	sadd.s32 s3, s2  }
0x8d: {  	s2 =	sadd.s32 s2, s16  }
0x8e: {  	[smem:$0x3FC0] =	sst s2  }
0x8f: {  	_ = 	snop  }
0x90: {  	(tm) =	ssettm $0x1  }
0x91: {  	s17 =	sld [smem:$0x3FFB];
	_ =	sdelay $0x3  }
0x92: {  	_ =	strace s17  }
0x93: {  	s2 =	sld [smem:$0x3FFC];
	_ =	sdelay $0x3  }
0x94: {  	_ =	strace s2  }
0x95: {  	s2 =	sld [smem:$0x3FFD];
	_ =	sdelay $0x3  }
0x96: {  	_ =	strace s2  }
0x97: {  	_ =	strace $0x8FFFFFFF  }
0x98: {  	s18 =	sld [smem:$0x3FDB];
	_ =	sdelay $0x1  }
0x99: {  	s19 =	simm.s32 $_scs_section_size  }
0x9a: {  	s4 =	simm.s32 $_size__tile_overlayer_lowered;
	s5 =	simm.s32 $_tile_overlayer_lowered  }
0x9b: {  	s22 =	simm.s32 $0x1BFF;
	s21 =	sshll.u32 s5, $0x1;
	s2 =	sadd.s32 s19, s18  }
0x9c: {  	s6 =	simm.s32 $0x0;
	s20 =	sshll.u32 s4, $0x1;
	s4 =	sadd.s32 s21, s2  }
0x9d: {  	[timem:s6], [sflag:s22] =	dma.local [hbm:s4], s20  }
0x9e: {  	_ =	swait.ge [sflag:s22], s20  }
0x9f: {  	s3 =	ssub.s32 $0x0, s20;
	[sflag:s22] =	ssyncset.done $0x0  }
0xa0: {  	[sflag:s22] =	ssyncadd.s32 s3;
	_ =	sdelay $0x1  }
0xa1: {  	s23 =	simm.s32 $0x1B8B  }
0xa2: {  	_ =	swait.ge [sflag:s23], $0x1  }
0xa3: {  	[sflag:s23] =	ssyncset.done $0x0  }
0xa4: {  	s25 =	simm.s32 $0x1B8E;
	s24 =	sld [smem:$0x3FFE];
	[sflag:s23] =	ssyncadd.s32 $0xFFFFFFFF  }
0xa5: {  	s26 =	simm.s32 $execute0_lowered;
	[smem:$0x3FD2] =	sst s25  }
0xa6: {  	s4 =	sshll.u32 s26, $0x1;
	_ =	strace $0x8000004C;
	[dreg:$0x1] =	wrdreg $0xFFFFFFFF  }
0xa7: {  	s28 =	simm.s32 $_size_execute0_lowered;
	s2 =	sadd.s32 s2, s4;
	[dreg:$0x0] =	wrdreg $0x0  }
0xa8: {  	s4 =	sshll.u32 s28, $0x1;
	[dreg:$0x2] =	wrdreg s2  }
0xa9: {  	[dreg:$0x3] =	wrdreg s4  }
0xaa: {  	[dreg:$0x4] =	wrdreg $0xC0  }
0xab: {  	_ =	task [dreg:s6], $0x5FFFF  }
0xac: {  	[dreg:$0x1] =	wrdreg $0xFFFFFFFF  }
0xad: {  	[dreg:$0x0] =	wrdreg $0x60  }
0xae: {  	[dreg:$0x2] =	wrdreg s24  }
0xaf: {  	[dreg:$0x3] =	wrdreg $0x0  }
0xb0: {  	[dreg:$0x4] =	wrdreg $0x9  }
0xb1: {  	_ =	task.clear_ibuf [dreg:s6], $0x5FFFF;
	_ =	strace $0x9000004C  }
0xb2: {  	s29 =	simm.s32 $0x9;
	_ =	strace $0x8000004E  }
0xb3: {  	_ =	swait.ge [sflag:s29], $0x1  }
0xb4: {  	[sflag:s29] =	ssyncadd.s32 $0xFFFFFFFF  }
0xb5: {  	_ =	strace $0x9000004E  }
0xb6: {  	_ =	sfence  }
0xb7: {  	s30 =	sld [smem:$0x0];
	_ =	sdelay $0x2  }
0xb8: {  	s31 =	sshll.u32 s1, $0xD;
	s1 =	sshrl.u32 s1, $0x2  }
0xb9: {  	s3 =	sand.u32 $0x4000, s31;
	s1 =	sadd.s32 s1, s30  }
0xba: {  	s0 =	sor.u32 s3, s0;
	s1 =	sshll.u32 s1, $0x11  }
0xbb: {  	s0 =	sor.u32 s1, s0  }
0xbc: {  	s0 =	sadd.s32 $0x8F2B, s0  }
0xbd: {  	[sflag:s0] =	ssyncadd.remote.s32 $0x1  }
0xbe: {  	_ =	sfence.sel $0xFFFF  }
0xbf: {  	[dreg:$0x0] =	wrdreg $0xFFFFFFFF;
	(pc) =	sbr.abs _section_cstart, $3  }
0xc0: {  	[dreg:$0x1] =	wrdreg $0xFFFFFFFF  }
0xc1: {  	_ =	task.clear_ibuf [dreg:s6], $0x2FFFF;
	_ =	strace $0x9FFFFFFF  }
0xc2: {  	(tm) =	ssettm $0x7FFFFFFF  }
0xc3: {  	_ =	shalt  }
tec
execute0_lowered:
.L_overlay_start_1:
0x0: {  	(tag) =	ssettag $0x1  }
0x1: {  	s5 =	rddreg [dreg:$0x0]  }
0x2: {  	s2 =	rddreg [dreg:$0x1]  }
0x3: {  	s0 =	srdreg.scid;
	s1 =	rddreg [dreg:$0x2];
	s3 =	simm.s32 $0x0  }
0x4: {  	s13 =	simm.s32 $0x7800;
	s14 =	simm.s32 $0x7850;
	s6 =	sand.u32 $0x1, s0  }
0x5: {  	s15 =	simm.s32 $0x50;
	s0 =	stileid.u32;
	s4 =	smul.u32 $0x27100, s6  }
0x6: {  	s16 =	simm.s32 $0x78A0;
	s17 =	simm.s32 $0x1;
	s7 =	smul.u32 $0x2710, s0  }
0x7: {  	s18 =	simm.s32 $0x0;
	[smem:$0x7FF] =	sst s3;
	s29 =	smul.u32 $0x7800, s0  }
0x8: {  	s9 =	smul.u32 $0x78000, s6;
	_ =	strace $0x8000004D;
	s6 =	ssub.s32 $0x2, s6  }
0x9: {  	s31 =	sshll.u32 s0, $0x6;
	s11 =	sshrl.u32 s6, $0x1;
	s4 =	sadd.s32 s7, s4  }
0xa: {  	s30 =	sshrl.u32 s29, $0x3;
	s9 =	sadd.s32 s29, s9;
	s11 =	ssub.s32 s6, s11  }
0xb: {  	s12 =	sadd.s32 s29, s2;
	s6 =	sor.u32 $0x1C02, s31;
	s8 =	sshrl.u32 s4, $0x3  }
0xc: {  	s9 =	sshrl.u32 s9, $0x3;
	s10 =	sadd.s32 s8, s5;
	s8 =	sadd.s32 s30, s5  }
0xd: {  	s4 =	sadd.s32 $0x16400, s5;
	s9 =	sadd.s32 s9, s5;
	s5 =	sadd.s32 $0x25000, s8  }
0xe: {  	s7 =	sadd.s32 $0x34000, s9;
	s8 =	smax.u32 s11, $0x1;
	s9 =	sadd.s32 $0x2800, s10  }
0xf: {  	s10 =	sadd.s32 $0xC600, s10;
	s11 =	sshrl.u32 s12, $0x3;
	s12 =	simm.s32 $0x2  }
.LBB2_1:
0x10: {  	[spmem:s11], [sflag:s6] =	dma.local [hbm:s5], $0xF00  }
0x11: {  	_ =	swait.ge [sflag:s12], $0xF00  }
0x12: {  	[sflag:s12] =	ssyncset.done $0x0  }
0x13: {  	[sflag:s12] =	ssyncadd.s32 $0xFFFFF100  }
0x14: {  	s19 =	sadd.s32 $0x0, s10;
	[bflag:$0x0] =	sbarrier.arrive $0xFFFF  }
0x15: {  	[tilespmem:s13], [sflag:$0x2] =	stream.linear.gather [hbm4b:s19+s3], $0x50, $0x38;
	[tilespmem:$0x87A0] =	vst v63  }
0x16: {  	_ =	swait.ge [sflag:s12], $0x50  }
0x17: {  	[sflag:s12] =	ssyncset.done $0x0  }
0x18: {  	s31 =	sadd.s32 $0x0, s9;
	[sflag:s12] =	ssyncadd.s32 $0xFFFFFFB0  }
0x19: {  	[tilespmem:s14], [sflag:$0x2] =	stream.linear.gather [hbm4b:s31+s3], $0x50, $0x38;
	[tilespmem:$0x87A0] =	vst v63  }
0x1a: {  	_ =	swait.ge [sflag:s12], $0x50  }
0x1b: {  	[sflag:s12] =	ssyncset.done $0x0  }
0x1c: {  	[sflag:s12] =	ssyncadd.s32 $0xFFFFFFB0  }
0x1d: {  	[tilespmem:s16], [sflag:$0x1] =	stream.indirect.gather [hbm4b:s4+s15], $0x30, s13, s15, $0xb8;
	[tilespmem:$0x87A0] =	vst v63  }
0x1e: {  	_ =	swait.ge [sflag:s17], $0xF00  }
0x1f: {  	[sflag:s17] =	ssyncset.done $0x0  }
0x20: {  	[sflag:s17] =	ssyncadd.s32 $0xFFFFF100  }
0x21: {  	[spmem:s2] =	stream.indirect.scatter.add.f32 [tilespmem:s16], [sflag:$0x2], $0x30, s14, s15, $0xb8;
	[tilespmem:$0x87A0] =	vst v63  }
0x22: {  	_ =	swait.ge [sflag:s12], $0xF00  }
0x23: {  	s20 =	simm.s32 $0x14;
	s19 =	simm.s32 $0xA;
	[sflag:s12] =	ssyncset.done $0x0  }
.LBB2_2:
0x24: {  	s21 =	sadd.s32 s19, s10  }
0x25: {  	[sflag:s12] =	ssyncadd.s32 $0xFFFFF100;
	s22 =	smov.u32 s20;
	s23 =	sadd.s32 $0xA, s20  }
0x26: {  	[tilespmem:s13], [sflag:$0x2] =	stream.linear.gather [hbm4b:s21+s3], $0x50, $0x38;
	[tilespmem:$0x87A0] =	vst v63  }
0x27: {  	p0 =	sne.s32 s20, $0x4D8;
	_ =	swait.ge [sflag:s12], $0x50  }
0x28: {  	[sflag:s12] =	ssyncset.done $0x0  }
0x29: {  	s20 =	sadd.s32 s19, s9;
	s19 =	smov.u32 s22;
	[sflag:s12] =	ssyncadd.s32 $0xFFFFFFB0  }
0x2a: {  	[tilespmem:s14], [sflag:$0x2] =	stream.linear.gather [hbm4b:s20+s3], $0x50, $0x38;
	[tilespmem:$0x87A0] =	vst v63  }
0x2b: {  	_ =	swait.ge [sflag:s12], $0x50  }
0x2c: {  	[sflag:s12] =	ssyncset.done $0x0  }
0x2d: {  	[sflag:s12] =	ssyncadd.s32 $0xFFFFFFB0  }
0x2e: {  	[tilespmem:s16], [sflag:$0x1] =	stream.indirect.gather [hbm4b:s4+s15], $0x30, s13, s15, $0xb8;
	[tilespmem:$0x87A0] =	vst v63  }
0x2f: {  	_ =	swait.ge [sflag:s17], $0xF00  }
.Ltmp0:
0x30: {  	[sflag:s17] =	ssyncset.done $0x0;
	(pc) =	sbr.rel @p0 .LBB2_2-.Ltmp0, $4  }
0x31: {  	[sflag:s17] =	ssyncadd.s32 $0xFFFFF100  }
0x32: {  	[spmem:s2] =	stream.indirect.scatter.add.f32 [tilespmem:s16], [sflag:$0x2], $0x30, s14, s15, $0xb8;
	[tilespmem:$0x87A0] =	vst v63  }
0x33: {  	_ =	swait.ge [sflag:s12], $0xF00  }
0x34: {  	s20 =	smov.u32 s23;
	[sflag:s12] =	ssyncset.done $0x0  }
0x35: {  	s20 =	sadd.s32 s19, s10;
	[sflag:s12] =	ssyncadd.s32 $0xFFFFF100  }
0x36: {  	[tilespmem:s13], [sflag:$0x2] =	stream.linear.gather [hbm4b:s20+s3], $0x50, $0x38;
	[tilespmem:$0x87A0] =	vst v63  }
0x37: {  	_ =	swait.ge [sflag:s12], $0x50  }
0x38: {  	[sflag:s12] =	ssyncset.done $0x0  }
0x39: {  	s31 =	sadd.s32 s19, s9;
	[sflag:s12] =	ssyncadd.s32 $0xFFFFFFB0  }
0x3a: {  	[tilespmem:s14], [sflag:$0x2] =	stream.linear.gather [hbm4b:s31+s3], $0x50, $0x38;
	[tilespmem:$0x87A0] =	vst v63  }
0x3b: {  	_ =	swait.ge [sflag:s12], $0x50  }
0x3c: {  	[sflag:s12] =	ssyncset.done $0x0  }
0x3d: {  	[sflag:s12] =	ssyncadd.s32 $0xFFFFFFB0  }
0x3e: {  	[tilespmem:s16], [sflag:$0x1] =	stream.indirect.gather [hbm4b:s4+s15], $0x30, s13, s15, $0xb8;
	[tilespmem:$0x87A0] =	vst v63  }
0x3f: {  	_ =	swait.ge [sflag:s17], $0xF00  }
0x40: {  	[sflag:s17] =	ssyncset.done $0x0  }
0x41: {  	[sflag:s17] =	ssyncadd.s32 $0xFFFFF100  }
0x42: {  	[spmem:s2] =	stream.indirect.scatter.add.f32 [tilespmem:s16], [sflag:$0x2], $0x30, s14, s15, $0xb8;
	[tilespmem:$0x87A0] =	vst v63  }
0x43: {  	_ =	swait.ge [sflag:s12], $0xF00  }
0x44: {  	s18 =	sadd.s32 $0x1, s18;
	[sflag:s12] =	ssyncset.done $0x0  }
0x45: {  	p0 =	sne.s32 s18, s8;
	[sflag:s12] =	ssyncadd.s32 $0xFFFFF100  }
.Ltmp1:
0x46: {  	[bflag:$0x0] =	sbarrier.arrive $0xFFFF;
	(pc) =	sbr.rel @p0 .LBB2_1-.Ltmp1, $4  }
0x47: {  	[hbm:s7], [sflag:s6] =	dma.local [spmem:s11], $0xF00  }
0x48: {  	_ =	swait.ge [sflag:s12], $0xF00  }
0x49: {  	[sflag:s12] =	ssyncset.done $0x0  }
0x4a: {  	[sflag:s12] =	ssyncadd.s32 $0xFFFFF100  }
0x4b: {  	_ =	sfence.sel $0x180000  }
0x4c: {  	[bflag:$0x0] =	sbarrier.arrive $0xFFFF  }
0x4d: {  	p0 =	sne.s32 s0, $0x0;
	_ =	strace $0x9000004D  }
0x4e: {  	s0 =	sadd.s32 @!p0 $0x100000, s1;
	[bflag:$0x2] =	sbarrier.arrive $0xFFFF  }
0x4f: {  	[sflag:s0] =	ssyncadd.tile.s32 @!p0 $0x1;
	_ =	shalt  }
.Lfunc_end2:
_tile_overlayer_lowered:
.L_overlay_start_2:
0x50: {  	(tag) =	ssettag $0x2  }
0x51: {  	s0 =	rddreg [dreg:$0x0];
	s2 =	stileid.u32  }
0x52: {  	s1 =	rddreg [dreg:$0x1];
	p0 =	sne.s32 s2, $0x0  }
0x53: {  	s3 =	rddreg [dreg:$0x2];
	[bflag:$0x3] =	sbarrier.arrive $0xFFFF;
	s2 =	simm.s32 @!p0 $0x1C02  }
0x54: {  	[timem:s3], [sflag:s2] =	dma.local @!p0 [hbm:s0], s1  }
0x55: {  	s0 =	simm.s32 @!p0 $0x2  }
0x56: {  	_ =	swait.ge @!p0 [sflag:s0], s1  }
0x57: {  	s1 =	ssub.s32 @!p0 $0x0, s1;
	[sflag:s0] =	ssyncset.done @!p0 $0x0  }
0x58: {  	[sflag:s0] =	ssyncadd.s32 @!p0 s1  }
0x59: {  	[bflag:$0x3] =	sbarrier.arrive $0xFFFF  }
0x5a: {  	_ =	shalt  }

// kernel: kernel.9.cloned.1.call-start
scs
__scs_entry_jumppad:
0x0: {  	(pc) =	sbr.rel $0x88, $3  }
0x1: {  	(tag) =	ssettag $0x0;
	lr =	simm.s32 $0x1  }
0x2: {  	[smem:$0x3F99] =	sst lr;
	_ =	strace $0xD0000000  }
0x3: {  	_ = 	snop  }
0x4: {  	_ = 	snop  }
0x5: {  	_ = 	snop  }
0x6: {  	_ = 	snop  }
0x7: {  	_ = 	snop  }
__scs_overlays_trampoline_lowered:
0x8: {  	[smem:$0x3FA8] =	sst s0  }
0x9: {  	[smem:$0x3FA9] =	sst s1  }
0xa: {  	[smem:$0x3FAA] =	sst s2  }
0xb: {  	[smem:$0x3FAB] =	sst s3  }
0xc: {  	[smem:$0x3FAC] =	sst s4  }
0xd: {  	[smem:$0x3FAD] =	sst s5  }
0xe: {  	[smem:$0x3FAE] =	sst s6  }
0xf: {  	[smem:$0x3FAF] =	sst s7  }
0x10: {  	[smem:$0x3FB0] =	sst s8  }
0x11: {  	[smem:$0x3FB1] =	sst s9;
	s0 =	simm.s32 @!p0 $0x0  }
0x12: {  	s1 =	sld [smem:$0x3F97];
	s0 =	simm.s32 @p0 $0x1  }
0x13: {  	[smem:$0x3FB2] =	sst s0;
	s0 =	simm.s32 @!p1 $0x0  }
0x14: {  	s2 =	sld [smem:$0x3F96];
	s0 =	simm.s32 @p1 $0x1  }
0x15: {  	[smem:$0x3FB3] =	sst s0;
	s0 =	simm.s32 @!p2 $0x0  }
0x16: {  	s3 =	sld [smem:$0x3FDB];
	s0 =	simm.s32 @p2 $0x1  }
0x17: {  	s4 =	simm.s32 $0x1BF5;
	[smem:$0x3FB5] =	sst s0  }
0x18: {  	s0 =	sld [smem:$0x3F98];
	_ =	swait.ge [sflag:s4], $0x0  }
0x19: {  	s7 =	sld [smem:$0x3F99]  }
0x1a: {  	s8 =	sadd.s32 $0xFFFFE003, lr  }
0x1b: {  	s9 =	sadd.s32 $0xFFFFFEF7, lr;
	s5 =	simm.s32 $0xFFFFFFFF;
	p2 =	slt.u32 s8, $0xFFFFF086  }
0x1c: {  	p1 =	slt.u32 s9, $0xF7A;
	s5 =	simm.s32 @!p2 $0x0  }
0x1d: {  	s5 =	simm.s32 @p1 $0x1;
	p0 =	seq.s32 s7, s2  }
0x1e: {  	s7 =	smul.u32 @!p0 $0xF7A, s2;
	p2 =	seq.s32 @!p0 s5, $0x0  }
0x1f: {  	s9 =	smul.u32 $0xF7A, s1;
	s8 =	simm.s32 @!p0 $0x1BF5;
	p2 =	por !p2, p0  }
0x20: {  	[sflag:s8] =	ssyncset.s32 @!p0 $0xFFFFF086;
	s6 =	sadd.s32 @!p0 s3, s7;
	s7 =	simm.s32 @!p0 $0x108  }
0x21: {  	s3 =	sadd.s32 s3, s9;
	s6 =	sadd.s32 @!p0 $0x88, s6;
	s7 =	simm.s32 @p2 $0x1082  }
0x22: {  	[simem:s7], [sflag:s8] =	dma.local @!p0 [hbm:s6], $0xF7A  }
0x23: {  	s9 =	sor.u32 $0xD0000000, s2;
	s6 =	simm.s32 $0x108;
	_ =	swait.ge @!p0 [sflag:s8], $0x0  }
0x24: {  	s3 =	sadd.s32 $0x88, s3;
	s6 =	simm.s32 @!p1 $0x1082;
	[sflag:s4] =	ssyncset.s32 $0xFFFFF086  }
0x25: {  	[simem:s6], [sflag:s4] =	dma.local [hbm:s3], $0xF7A  }
0x26: {  	[smem:$0x3F99] =	sst s1;
	(tag) =	ssettag s2;
	_ =	strace s9  }
0x27: {  	s1 =	sld [smem:$0x3FA9]  }
0x28: {  	s2 =	sld [smem:$0x3FAA]  }
0x29: {  	s4 =	sld [smem:$0x3FAC]  }
0x2a: {  	p0 =	seq.s32 s5, $0x0;
	s5 =	sld [smem:$0x3FAD]  }
0x2b: {  	s6 =	sld [smem:$0x3FAE]  }
0x2c: {  	s7 =	sld [smem:$0x3FAF]  }
0x2d: {  	s3 =	simm.s32 $0x108;
	s8 =	sld [smem:$0x3FB0]  }
0x2e: {  	s3 =	simm.s32 @!p0 $0x1082;
	s9 =	sld [smem:$0x3FB1]  }
0x2f: {  	lr =	sadd.s32 s0, s3;
	s0 =	sld [smem:$0x3FA8]  }
0x30: {  	s3 =	sld [smem:$0x3FAB]  }
0x31: {  	[smem:$0x3FB4] =	sst s10  }
0x32: {  	s10 =	sld [smem:$0x3FB2];
	_ =	sdelay $0x3  }
0x33: {  	p0 =	seq.s32 s10, $0x1;
	s10 =	sld [smem:$0x3FB4];
	_ =	sdelay $0x3  }
0x34: {  	[smem:$0x3FB4] =	sst s10  }
0x35: {  	s10 =	sld [smem:$0x3FB3];
	_ =	sdelay $0x3  }
0x36: {  	p1 =	seq.s32 s10, $0x1;
	s10 =	sld [smem:$0x3FB4];
	_ =	sdelay $0x3  }
0x37: {  	[smem:$0x3FB4] =	sst s10  }
0x38: {  	s10 =	sld [smem:$0x3FB5]  }
0x39: {  	_ = 	snop;
	(pc) =	sbr.ind lr, $3  }
0x3a: {  	_ = 	snop  }
0x3b: {  	_ = 	snop  }
0x3c: {  	p2 =	seq.s32 s10, $0x1;
	s10 =	sld [smem:$0x3FB4]  }
0x3d: {  	_ =	shalt  }
0x3e: {  	_ =	shalt  }
0x3f: {  	_ =	shalt  }
0x40: {  	_ =	shalt  }
0x41: {  	_ =	shalt  }
0x42: {  	_ =	shalt  }
0x43: {  	_ =	shalt  }
0x44: {  	_ =	shalt  }
0x45: {  	_ =	shalt  }
0x46: {  	_ =	shalt  }
0x47: {  	_ =	shalt  }
0x48: {  	_ =	shalt  }
0x49: {  	_ =	shalt  }
0x4a: {  	_ =	shalt  }
0x4b: {  	_ =	shalt  }
0x4c: {  	_ =	shalt  }
0x4d: {  	_ =	shalt  }
0x4e: {  	_ =	shalt  }
0x4f: {  	_ =	shalt  }
0x50: {  	_ =	shalt  }
0x51: {  	_ =	shalt  }
0x52: {  	_ =	shalt  }
0x53: {  	_ =	shalt  }
0x54: {  	_ =	shalt  }
0x55: {  	_ =	shalt  }
0x56: {  	_ =	shalt  }
0x57: {  	_ =	shalt  }
0x58: {  	_ =	shalt  }
0x59: {  	_ =	shalt  }
0x5a: {  	_ =	shalt  }
0x5b: {  	_ =	shalt  }
0x5c: {  	_ =	shalt  }
0x5d: {  	_ =	shalt  }
0x5e: {  	_ =	shalt  }
0x5f: {  	_ =	shalt  }
0x60: {  	_ =	shalt  }
0x61: {  	_ =	shalt  }
0x62: {  	_ =	shalt  }
0x63: {  	_ =	shalt  }
0x64: {  	_ =	shalt  }
0x65: {  	_ =	shalt  }
0x66: {  	_ =	shalt  }
0x67: {  	_ =	shalt  }
0x68: {  	_ =	shalt  }
0x69: {  	_ =	shalt  }
0x6a: {  	_ =	shalt  }
0x6b: {  	_ =	shalt  }
0x6c: {  	_ =	shalt  }
0x6d: {  	_ =	shalt  }
0x6e: {  	_ =	shalt  }
0x6f: {  	_ =	shalt  }
0x70: {  	_ =	shalt  }
0x71: {  	_ =	shalt  }
0x72: {  	_ =	shalt  }
0x73: {  	_ =	shalt  }
0x74: {  	_ =	shalt  }
0x75: {  	_ =	shalt  }
0x76: {  	_ =	shalt  }
0x77: {  	_ =	shalt  }
0x78: {  	_ =	shalt  }
0x79: {  	_ =	shalt  }
0x7a: {  	_ =	shalt  }
0x7b: {  	_ =	shalt  }
0x7c: {  	_ =	shalt  }
0x7d: {  	_ =	shalt  }
0x7e: {  	_ =	shalt  }
0x7f: {  	_ =	shalt  }
0x80: {  	_ =	shalt  }
0x81: {  	_ =	shalt  }
0x82: {  	_ =	shalt  }
0x83: {  	_ =	shalt  }
0x84: {  	_ =	shalt  }
0x85: {  	_ =	shalt  }
0x86: {  	_ =	shalt  }
0x87: {  	_ =	shalt  }
.Lfunc_end0:
.L_simem_size_0:
called_computation_lowered:
.L_overlay_start_0:
0x88: {  	s2 =	sld [smem:$0x3FD9]  }
0x89: {  	s3 =	sld [smem:$0x3FFE];
	_ =	sdelay $0x1  }
0x8a: {  	s1 =	srdreg.scid  }
0x8b: {  	s0 =	sand.u32 $0x1, s1  }
0x8c: {  	s17 =	sshll.u32 s0, $0xA;
	s2 =	sadd.s32 s3, s2  }
0x8d: {  	s2 =	sadd.s32 s2, s17  }
0x8e: {  	[smem:$0x3FC0] =	sst s2  }
0x8f: {  	_ = 	snop  }
0x90: {  	s2 =	sld [smem:$0x3FD0];
	(tm) =	ssettm $0x1  }
0x91: {  	s18 =	sld [smem:$0x3FFB];
	_ =	sdelay $0x3  }
0x92: {  	_ =	strace s18  }
0x93: {  	s3 =	sld [smem:$0x3FFC];
	_ =	sdelay $0x3  }
0x94: {  	_ =	strace s3  }
0x95: {  	s3 =	sld [smem:$0x3FFD];
	_ =	sdelay $0x3  }
0x96: {  	_ =	strace s3  }
0x97: {  	_ =	strace $0x8FFFFFFF  }
0x98: {  	s19 =	sld [smem:$0x3FDB];
	_ =	sdelay $0x1  }
0x99: {  	s4 =	simm.s32 $_scs_section_size  }
0x9a: {  	s5 =	simm.s32 $_size__tile_overlayer_lowered;
	s6 =	simm.s32 $_tile_overlayer_lowered  }
0x9b: {  	s22 =	simm.s32 $0x1BFF;
	s21 =	sshll.u32 s6, $0x1;
	s3 =	sadd.s32 s4, s19  }
0x9c: {  	s7 =	simm.s32 $0x0;
	s20 =	sshll.u32 s5, $0x1;
	s5 =	sadd.s32 s21, s3  }
0x9d: {  	[timem:s7], [sflag:s22] =	dma.local [hbm:s5], s20  }
0x9e: {  	_ =	swait.ge [sflag:s22], s20  }
0x9f: {  	s4 =	ssub.s32 $0x0, s20;
	[sflag:s22] =	ssyncset.done $0x0  }
0xa0: {  	[sflag:s22] =	ssyncadd.s32 s4;
	_ =	sdelay $0x1  }
0xa1: {  	s23 =	simm.s32 $0x1B8B  }
0xa2: {  	_ =	swait.ge [sflag:s23], $0x1  }
0xa3: {  	[sflag:s23] =	ssyncset.done $0x0  }
0xa4: {  	s25 =	simm.s32 $0x1B8E;
	s24 =	sld [smem:$0x3FFE];
	[sflag:s23] =	ssyncadd.s32 $0xFFFFFFFF  }
0xa5: {  	s26 =	simm.s32 $execute0_lowered;
	[smem:$0x3FD2] =	sst s25  }
0xa6: {  	s5 =	sshll.u32 s26, $0x1;
	_ =	strace $0x80000046;
	[dreg:$0x1] =	wrdreg $0xFFFFFFFF  }
0xa7: {  	s28 =	simm.s32 $_size_execute0_lowered;
	s3 =	sadd.s32 s3, s5;
	[dreg:$0x0] =	wrdreg $0x0  }
0xa8: {  	s5 =	sshll.u32 s28, $0x1;
	[dreg:$0x2] =	wrdreg s3  }
0xa9: {  	[dreg:$0x3] =	wrdreg s5  }
0xaa: {  	[dreg:$0x4] =	wrdreg $0xC0  }
0xab: {  	_ =	task [dreg:s7], $0x5FFFF  }
0xac: {  	[dreg:$0x1] =	wrdreg $0xFFFFFFFF  }
0xad: {  	[dreg:$0x0] =	wrdreg $0x60  }
0xae: {  	[dreg:$0x2] =	wrdreg s24  }
0xaf: {  	[dreg:$0x3] =	wrdreg s2  }
0xb0: {  	[dreg:$0x4] =	wrdreg $0x0  }
0xb1: {  	[dreg:$0x5] =	wrdreg $0x168A00  }
0xb2: {  	[dreg:$0x6] =	wrdreg $0x9  }
0xb3: {  	_ =	task.clear_ibuf [dreg:s7], $0x7FFFF;
	_ =	strace $0x90000046  }
0xb4: {  	s29 =	simm.s32 $0x9;
	_ =	strace $0x80000048  }
0xb5: {  	_ =	swait.ge [sflag:s29], $0x1  }
0xb6: {  	[sflag:s29] =	ssyncadd.s32 $0xFFFFFFFF  }
0xb7: {  	_ =	strace $0x90000048  }
0xb8: {  	_ =	sfence  }
0xb9: {  	s30 =	sld [smem:$0x0];
	_ =	sdelay $0x2  }
0xba: {  	s31 =	sshll.u32 s1, $0xD;
	s1 =	sshrl.u32 s1, $0x2  }
0xbb: {  	s3 =	sand.u32 $0x4000, s31;
	s1 =	sadd.s32 s1, s30  }
0xbc: {  	s0 =	sor.u32 s3, s0;
	s1 =	sshll.u32 s1, $0x11  }
0xbd: {  	s0 =	sor.u32 s1, s0  }
0xbe: {  	s0 =	sadd.s32 $0x8F2B, s0  }
0xbf: {  	[sflag:s0] =	ssyncadd.remote.s32 $0x1  }
0xc0: {  	_ =	sfence.sel $0xFFFF  }
0xc1: {  	[dreg:$0x0] =	wrdreg $0xFFFFFFFF;
	(pc) =	sbr.abs _section_cstart, $3  }
0xc2: {  	[dreg:$0x1] =	wrdreg $0xFFFFFFFF  }
0xc3: {  	_ =	task.clear_ibuf [dreg:s7], $0x2FFFF;
	_ =	strace $0x9FFFFFFF  }
0xc4: {  	(tm) =	ssettm $0x7FFFFFFF  }
0xc5: {  	_ =	shalt  }
tec
execute0_lowered:
.L_overlay_start_1:
0x0: {  	(tag) =	ssettag $0x1  }
0x1: {  	s6 =	rddreg [dreg:$0x0]  }
0x2: {  	s10 =	rddreg [dreg:$0x1]  }
0x3: {  	s2 =	rddreg [dreg:$0x2]  }
0x4: {  	s3 =	rddreg [dreg:$0x3]  }
0x5: {  	s0 =	srdreg.scid;
	s1 =	rddreg [dreg:$0x4]  }
0x6: {  	s4 =	simm.s32 $0x0;
	s18 =	simm.s32 $0x14050;
	s7 =	sand.u32 $0x1, s0  }
0x7: {  	s19 =	simm.s32 $0x50;
	s0 =	stileid.u32;
	s5 =	smul.u32 $0x27100, s7  }
0x8: {  	s20 =	simm.s32 $0x140A0;
	s21 =	simm.s32 $0x1;
	s8 =	smul.u32 $0x2710, s0  }
0x9: {  	s22 =	simm.s32 $0x190A0;
	[smem:$0x7FF] =	sst s4;
	s9 =	smul.u32 $0x14000, s0  }
0xa: {  	s23 =	simm.s32 $0x0;
	s24 =	smul.u32 $0x2800, s0;
	_ =	strace $0x80000047  }
0xb: {  	s12 =	smul.u32 $0x140000, s7;
	s15 =	ssub.s32 $0x2, s7;
	s28 =	sshll.u32 s0, $0x6  }
0xc: {  	s16 =	smul.u32 $0x28000, s7;
	s26 =	sshrl.u32 s15, $0x1;
	s7 =	sor.u32 $0x1C02, s28  }
0xd: {  	s5 =	sadd.s32 s8, s5;
	s25 =	sshrl.u32 s9, $0x3;
	s14 =	sshrl.u32 s24, $0x3  }
0xe: {  	s12 =	sadd.s32 s9, s12;
	s15 =	ssub.s32 s15, s26;
	s17 =	sadd.s32 s9, s2  }
0xf: {  	s29 =	sadd.s32 s24, s16;
	s30 =	sadd.s32 s24, s3;
	s11 =	sshrl.u32 s5, $0x3  }
0x10: {  	s5 =	sadd.s32 $0x16400, s6;
	s14 =	sadd.s32 s14, s6;
	s12 =	sshrl.u32 s12, $0x3  }
0x11: {  	s31 =	sshrl.u32 s29, $0x3;
	s16 =	sshrl.u32 s30, $0x3;
	s13 =	sadd.s32 s11, s6  }
0x12: {  	s11 =	sadd.s32 s25, s6;
	s12 =	sadd.s32 s12, s6;
	s8 =	sadd.s32 $0x65600, s14  }
0x13: {  	s10 =	sadd.s32 s10, s31;
	s14 =	sshrl.u32 s17, $0x3;
	s17 =	simm.s32 $0x14000  }
0x14: {  	s6 =	sadd.s32 $0x3D600, s11;
	s9 =	sadd.s32 $0x6A600, s12;
	s11 =	smax.u32 s15, $0x1  }
0x15: {  	v0 =	vimm.f32 $1.000000000e+00;
	s12 =	sadd.s32 $0x2800, s13;
	s13 =	sadd.s32 $0xC600, s13;
	s15 =	simm.s32 $0x2  }
.LBB2_1:
0x16: {  	[spmem:s14], [sflag:s7] =	dma.local [hbm:s6], $0x2800  }
0x17: {  	_ =	swait.ge [sflag:s15], $0x2800  }
0x18: {  	[sflag:s15] =	ssyncset.done $0x0  }
0x19: {  	[sflag:s15] =	ssyncadd.s32 $0xFFFFD800  }
0x1a: {  	[spmem:s16], [sflag:s7] =	dma.local [hbm:s8], $0x500  }
0x1b: {  	_ =	swait.ge [sflag:s15], $0x500  }
0x1c: {  	[sflag:s15] =	ssyncset.done $0x0  }
0x1d: {  	s24 =	simm.s32 $0x40;
	s25 =	simm.s32 $0x0;
	[sflag:s15] =	ssyncadd.s32 $0xFFFFFB00  }
.LBB2_2:
0x1e: {  	p0 =	sne.s32 s24, $0x13C0;
	[tilespmem:s25+$0x190A0] =	vst v0;
	s25 =	smov.u32 s24;
	s24 =	sadd.s32 $0x40, s24  }
.Ltmp0:
0x1f: {  	(pc) =	sbr.rel @p0 .LBB2_2-.Ltmp0, $2  }
0x20: {  	_ =	sdelay $0x2  }
0x21: {  	s25 =	sshra.s32 s25, $0x2  }
0x22: {  	[tilespmem:s25+$0x190A0] =	vst v0  }
0x23: {  	s24 =	sadd.s32 $0x0, s13;
	[bflag:$0x0] =	sbarrier.arrive $0xFFFF  }
0x24: {  	[tilespmem:s17], [sflag:$0x2] =	stream.linear.gather [hbm4b:s24+s4], $0x50, $0x38;
	[tilespmem:$0x195A0] =	vst v63  }
0x25: {  	_ =	swait.ge [sflag:s15], $0x50  }
0x26: {  	[sflag:s15] =	ssyncset.done $0x0  }
0x27: {  	s31 =	sadd.s32 $0x0, s12;
	[sflag:s15] =	ssyncadd.s32 $0xFFFFFFB0  }
0x28: {  	[tilespmem:s18], [sflag:$0x2] =	stream.linear.gather [hbm4b:s31+s4], $0x50, $0x38;
	[tilespmem:$0x195A0] =	vst v63  }
0x29: {  	_ =	swait.ge [sflag:s15], $0x50  }
0x2a: {  	[sflag:s15] =	ssyncset.done $0x0  }
0x2b: {  	[sflag:s15] =	ssyncadd.s32 $0xFFFFFFB0  }
0x2c: {  	[tilespmem:s20], [sflag:$0x1] =	stream.indirect.gather [hbm4b:s5+s19], $0x80, s17, s19, $0xb8;
	[tilespmem:$0x195A0] =	vst v63  }
0x2d: {  	_ =	swait.ge [sflag:s21], $0x2800  }
0x2e: {  	[sflag:s21] =	ssyncset.done $0x0  }
0x2f: {  	[sflag:s21] =	ssyncadd.s32 $0xFFFFD800  }
0x30: {  	[spmem:s2] =	stream.indirect.scatter.add.f32 [tilespmem:s20], [sflag:$0x2], $0x80, s18, s19, $0xb8;
	[tilespmem:$0x195A0] =	vst v63  }
0x31: {  	_ =	swait.ge [sflag:s15], $0x2800  }
0x32: {  	[sflag:s15] =	ssyncset.done $0x0  }
0x33: {  	[sflag:s15] =	ssyncadd.s32 $0xFFFFD800  }
0x34: {  	[spmem:s3] =	stream.indirect.scatter.add.f32 [tilespmem:s22], [sflag:$0x2], $0x10, s18, s19, $0xb8;
	[tilespmem:$0x195A0] =	vst v63  }
0x35: {  	_ =	swait.ge [sflag:s15], $0x500  }
0x36: {  	s25 =	simm.s32 $0x14;
	s24 =	simm.s32 $0xA;
	[sflag:s15] =	ssyncset.done $0x0  }
.LBB2_4:
0x37: {  	s26 =	sadd.s32 s24, s13  }
0x38: {  	[sflag:s15] =	ssyncadd.s32 $0xFFFFFB00;
	s28 =	smov.u32 s25;
	s29 =	sadd.s32 $0xA, s25  }
0x39: {  	[tilespmem:s17], [sflag:$0x2] =	stream.linear.gather [hbm4b:s26+s4], $0x50, $0x38;
	[tilespmem:$0x195A0] =	vst v63  }
0x3a: {  	p0 =	sne.s32 s25, $0x4D8;
	_ =	swait.ge [sflag:s15], $0x50  }
0x3b: {  	[sflag:s15] =	ssyncset.done $0x0  }
0x3c: {  	s25 =	sadd.s32 s24, s12;
	s24 =	smov.u32 s28;
	[sflag:s15] =	ssyncadd.s32 $0xFFFFFFB0  }
0x3d: {  	[tilespmem:s18], [sflag:$0x2] =	stream.linear.gather [hbm4b:s25+s4], $0x50, $0x38;
	[tilespmem:$0x195A0] =	vst v63  }
0x3e: {  	_ =	swait.ge [sflag:s15], $0x50  }
0x3f: {  	[sflag:s15] =	ssyncset.done $0x0  }
0x40: {  	[sflag:s15] =	ssyncadd.s32 $0xFFFFFFB0  }
0x41: {  	[tilespmem:s20], [sflag:$0x1] =	stream.indirect.gather [hbm4b:s5+s19], $0x80, s17, s19, $0xb8;
	[tilespmem:$0x195A0] =	vst v63  }
0x42: {  	_ =	swait.ge [sflag:s21], $0x2800  }
0x43: {  	[sflag:s21] =	ssyncset.done $0x0  }
0x44: {  	[sflag:s21] =	ssyncadd.s32 $0xFFFFD800  }
0x45: {  	[spmem:s2] =	stream.indirect.scatter.add.f32 [tilespmem:s20], [sflag:$0x2], $0x80, s18, s19, $0xb8;
	[tilespmem:$0x195A0] =	vst v63  }
0x46: {  	_ =	swait.ge [sflag:s15], $0x2800  }
.Ltmp1:
0x47: {  	[sflag:s15] =	ssyncset.done $0x0;
	(pc) =	sbr.rel @p0 .LBB2_4-.Ltmp1, $4  }
0x48: {  	[sflag:s15] =	ssyncadd.s32 $0xFFFFD800  }
0x49: {  	[spmem:s3] =	stream.indirect.scatter.add.f32 [tilespmem:s22], [sflag:$0x2], $0x10, s18, s19, $0xb8;
	[tilespmem:$0x195A0] =	vst v63  }
0x4a: {  	_ =	swait.ge [sflag:s15], $0x500  }
0x4b: {  	s25 =	smov.u32 s29;
	[sflag:s15] =	ssyncset.done $0x0  }
0x4c: {  	s25 =	sadd.s32 s24, s13;
	[sflag:s15] =	ssyncadd.s32 $0xFFFFFB00  }
0x4d: {  	[tilespmem:s17], [sflag:$0x2] =	stream.linear.gather [hbm4b:s25+s4], $0x50, $0x38;
	[tilespmem:$0x195A0] =	vst v63  }
0x4e: {  	_ =	swait.ge [sflag:s15], $0x50  }
0x4f: {  	[sflag:s15] =	ssyncset.done $0x0  }
0x50: {  	s31 =	sadd.s32 s24, s12;
	[sflag:s15] =	ssyncadd.s32 $0xFFFFFFB0  }
0x51: {  	[tilespmem:s18], [sflag:$0x2] =	stream.linear.gather [hbm4b:s31+s4], $0x50, $0x38;
	[tilespmem:$0x195A0] =	vst v63  }
0x52: {  	_ =	swait.ge [sflag:s15], $0x50  }
0x53: {  	[sflag:s15] =	ssyncset.done $0x0  }
0x54: {  	[sflag:s15] =	ssyncadd.s32 $0xFFFFFFB0  }
0x55: {  	[tilespmem:s20], [sflag:$0x1] =	stream.indirect.gather [hbm4b:s5+s19], $0x80, s17, s19, $0xb8;
	[tilespmem:$0x195A0] =	vst v63  }
0x56: {  	_ =	swait.ge [sflag:s21], $0x2800  }
0x57: {  	[sflag:s21] =	ssyncset.done $0x0  }
0x58: {  	[sflag:s21] =	ssyncadd.s32 $0xFFFFD800  }
0x59: {  	[spmem:s2] =	stream.indirect.scatter.add.f32 [tilespmem:s20], [sflag:$0x2], $0x80, s18, s19, $0xb8;
	[tilespmem:$0x195A0] =	vst v63  }
0x5a: {  	_ =	swait.ge [sflag:s15], $0x2800  }
0x5b: {  	[sflag:s15] =	ssyncset.done $0x0  }
0x5c: {  	[sflag:s15] =	ssyncadd.s32 $0xFFFFD800  }
0x5d: {  	[spmem:s3] =	stream.indirect.scatter.add.f32 [tilespmem:s22], [sflag:$0x2], $0x10, s18, s19, $0xb8;
	[tilespmem:$0x195A0] =	vst v63  }
0x5e: {  	_ =	swait.ge [sflag:s15], $0x500  }
0x5f: {  	[sflag:s15] =	ssyncset.done $0x0  }
0x60: {  	[sflag:s15] =	ssyncadd.s32 $0xFFFFFB00  }
0x61: {  	[bflag:$0x0] =	sbarrier.arrive $0xFFFF  }
0x62: {  	[hbm:s9], [sflag:s7] =	dma.local [spmem:s14], $0x2800  }
0x63: {  	s23 =	sadd.s32 $0x1, s23;
	_ =	swait.ge [sflag:s15], $0x2800  }
0x64: {  	p0 =	sne.s32 s23, s11;
	[sflag:s15] =	ssyncset.done $0x0  }
.Ltmp2:
0x65: {  	[sflag:s15] =	ssyncadd.s32 $0xFFFFD800;
	(pc) =	sbr.rel @p0 .LBB2_1-.Ltmp2, $4  }
0x66: {  	[hbm:s10], [sflag:s7] =	dma.local [spmem:s16], $0x500  }
0x67: {  	_ =	swait.ge [sflag:s15], $0x500  }
0x68: {  	[sflag:s15] =	ssyncset.done $0x0  }
0x69: {  	[sflag:s15] =	ssyncadd.s32 $0xFFFFFB00  }
0x6a: {  	_ =	sfence.sel $0x180000  }
0x6b: {  	[bflag:$0x0] =	sbarrier.arrive $0xFFFF  }
0x6c: {  	p0 =	sne.s32 s0, $0x0;
	_ =	strace $0x90000047  }
0x6d: {  	s0 =	sadd.s32 @!p0 $0x100000, s1;
	[bflag:$0x2] =	sbarrier.arrive $0xFFFF  }
0x6e: {  	[sflag:s0] =	ssyncadd.tile.s32 @!p0 $0x1;
	_ =	shalt  }
.Lfunc_end2:
_tile_overlayer_lowered:
.L_overlay_start_2:
0x6f: {  	(tag) =	ssettag $0x2  }
0x70: {  	s0 =	rddreg [dreg:$0x0];
	s2 =	stileid.u32  }
0x71: {  	s1 =	rddreg [dreg:$0x1];
	p0 =	sne.s32 s2, $0x0  }
0x72: {  	s3 =	rddreg [dreg:$0x2];
	[bflag:$0x3] =	sbarrier.arrive $0xFFFF;
	s2 =	simm.s32 @!p0 $0x1C02  }
0x73: {  	[timem:s3], [sflag:s2] =	dma.local @!p0 [hbm:s0], s1  }
0x74: {  	s0 =	simm.s32 @!p0 $0x2  }
0x75: {  	_ =	swait.ge @!p0 [sflag:s0], s1  }
0x76: {  	s1 =	ssub.s32 @!p0 $0x0, s1;
	[sflag:s0] =	ssyncset.done @!p0 $0x0  }
0x77: {  	[sflag:s0] =	ssyncadd.s32 @!p0 s1  }
0x78: {  	[bflag:$0x3] =	sbarrier.arrive $0xFFFF  }
0x79: {  	_ =	shalt  }

</sc_bundles>
